<compile_context>
chip_gen: v7x
topology: tpu7x:2x2x1
jax: 0.10.2.dev20260603
libtpu: 0.0.44.dev20260713+nightly
codegen_flags: <defaults>
</compile_context>

<pallas_src>
import functools

import jax
import jax.numpy as jnp
from jax import lax
from jax.experimental import pallas as pl
from jax.experimental.pallas import tpu as pltpu
from jax.experimental.pallas import tpu_sc as plsc

_SEQ = 200
_D = 128
_NCHUNK = _D // 16
_NPART = 13
_VROW = _NPART
_TBASE = _NPART + 1
_NSTAGE = _TBASE + 16


def _sc_body(x0_hbm, x1_hbm, emb1_hbm, emb2_hbm, w1_hbm, b1_hbm, out_hbm,
             idx_v, rows_v, big_v, w1_v, b1_v, cv_v, stage_s,
             sem, sem_w1, sem_b1):
    w = lax.axis_index("s")

    w1_dma = pltpu.make_async_copy(w1_hbm.at[pl.ds(w * 8, 8)], w1_v, sem_w1)
    w1_dma.start()
    b1_dma = pltpu.make_async_copy(b1_hbm, b1_v, sem_b1)

    @pl.when(w == 0)
    def _start_b1():
        b1_dma.start()

    @pl.when(w < _NPART)
    def _gather():
        base = jnp.minimum(w * 16, _SEQ - 16)
        lo = w * 16 - base
        pltpu.sync_copy(x0_hbm.at[pl.ds(base, 16)], idx_v)
        pltpu.async_copy(emb1_hbm.at[idx_v], rows_v, sem).wait()

        def body(r, carry):
            wt = jnp.where(r >= lo, 1.0, 0.0)
            return tuple(carry[ci] + wt * rows_v[r, pl.ds(ci * 16, 16)]
                         for ci in range(_NCHUNK))

        zero = jnp.zeros((16,), jnp.float32)
        acc = lax.fori_loop(0, 16, body, (zero,) * _NCHUNK)
        for ci in range(_NCHUNK):
            big_v[1, pl.ds(ci * 16, 16)] = acc[ci]
        pltpu.sync_copy(big_v.at[pl.ds(1, 1)], stage_s.at[pl.ds(w, 1)])

    @pl.when(w == _NPART)
    def _gather_emb2():
        pltpu.sync_copy(x1_hbm, idx_v.at[pl.ds(0, 1)])
        pltpu.async_copy(emb2_hbm.at[idx_v.at[pl.ds(0, 1)]],
                         big_v.at[pl.ds(0, 1)], sem).wait()
        pltpu.sync_copy(big_v.at[pl.ds(0, 1)], stage_s.at[pl.ds(_VROW, 1)])

    plsc.subcore_barrier()

    pltpu.sync_copy(stage_s.at[pl.ds(_VROW, 1)], big_v.at[pl.ds(0, 1)])
    c0 = w // 2
    off = (w % 2) * 8
    vchunk = big_v[0, pl.ds(0, 16)]
    for ci in range(1, _NCHUNK):
        vc = big_v[0, pl.ds(ci * 16, 16)]
        vchunk = jnp.where(ci == c0, vc, vchunk)

    w1_dma.wait()

    def mv_body(r, t):
        bidx = jnp.full((16,), off + r, jnp.int32)
        bv = vchunk.at[bidx].get(mode="promise_in_bounds")
        return tuple(t[ci] + bv * w1_v[r, pl.ds(ci * 16, 16)]
                     for ci in range(_NCHUNK))

    zero = jnp.zeros((16,), jnp.float32)
    t = lax.fori_loop(0, 8, mv_body, (zero,) * _NCHUNK)
    for ci in range(_NCHUNK):
        big_v[1, pl.ds(ci * 16, 16)] = t[ci]
    pltpu.sync_copy(big_v.at[pl.ds(1, 1)], stage_s.at[pl.ds(_TBASE + w, 1)])
    plsc.subcore_barrier()

    @pl.when(w == 0)
    def _finish():
        pltpu.sync_copy(stage_s, big_v)

        def row_sum(lo, hi):
            def body(p, carry):
                return tuple(carry[ci] + big_v[p, pl.ds(ci * 16, 16)]
                             for ci in range(_NCHUNK))
            init = tuple(big_v[lo, pl.ds(ci * 16, 16)]
                         for ci in range(_NCHUNK))
            return lax.fori_loop(lo + 1, hi, body, init)

        part = row_sum(0, _NPART)
        tt = row_sum(_TBASE, _NSTAGE)
        b1_dma.wait()
        inv = 1.0 / _SEQ
        pvec = jnp.zeros((16,), jnp.float32)
        for ci in range(_NCHUNK):
            vc = big_v[_VROW, pl.ds(ci * 16, 16)]
            pvec = pvec + (part[ci] * inv) * tt[ci] \
                + b1_v[pl.ds(ci * 16, 16)] * vc
        lane = lax.iota(jnp.int32, 16)
        for step in (1, 2, 4, 8):
            ridx = (lane + step) & 15
            pvec = pvec + pvec.at[ridx].get(mode="promise_in_bounds")
        y = 1.0 / (1.0 + jnp.exp(-pvec))
        cv_v[...] = y
        pltpu.sync_copy(cv_v, out_hbm)


_sc_all = functools.partial(
    pl.kernel,
    _sc_body,
    out_type=jax.ShapeDtypeStruct((16,), jnp.float32),
    scratch_types=[
        pltpu.VMEM((16,), jnp.int32),
        pltpu.VMEM((16, _D), jnp.float32),
        pltpu.VMEM((_NSTAGE, _D), jnp.float32),
        pltpu.VMEM((8, _D), jnp.float32),
        pltpu.VMEM((_D,), jnp.float32),
        pltpu.VMEM((16,), jnp.float32),
        pltpu.VMEM_SHARED((_NSTAGE, _D), jnp.float32),
        pltpu.SemaphoreType.DMA,
        pltpu.SemaphoreType.DMA,
        pltpu.SemaphoreType.DMA,
    ],
    mesh=plsc.VectorSubcoreMesh(core_axis_name="c", subcore_axis_name="s",
                                num_cores=1),
)()


def kernel(x0, x1, emb1, W1, b1, emb2):
    out = _sc_all(x0, x1, emb1, emb2, W1, b1)
    return out[0]

# --- scband reference (transcript-rebuilt; emitter-appended) ---
"""Pipeline reference for scband-bill-model-12094627905838 (READ-ONLY COPY).

The authoritative reference and input builder live on the scoring server;
editing this copy changes nothing except your own understanding.
"""

import jax, jax.numpy as jnp
import numpy as np

NUM_WORDS = 100000
WORD_EMBED_LEN = 128
DP_SIZE = 128
NUM_CP = 1000
SEQ_LEN = 200


def setup_inputs(seed: int = 0) -> dict:
    key = jax.random.key(seed)
    k0, k1, k2, k3, k4, k5 = jax.random.split(key, 6)
    x0 = jax.random.randint(k0, (SEQ_LEN,), 0, NUM_WORDS, dtype=jnp.int32)
    x1 = jax.random.randint(k1, (1,), 0, NUM_CP, dtype=jnp.int32)
    emb1 = jax.random.normal(k2, (NUM_WORDS, WORD_EMBED_LEN), dtype=jnp.float32)
    W1 = jax.random.uniform(k3, (DP_SIZE, WORD_EMBED_LEN), dtype=jnp.float32, minval=-0.01, maxval=0.01)
    b1 = jnp.zeros((DP_SIZE,), dtype=jnp.float32)
    emb2 = jax.random.uniform(k4, (NUM_CP, DP_SIZE), dtype=jnp.float32, minval=-0.01, maxval=0.01)
    return {"x0": x0, "x1": x1, "emb1": emb1, "W1": W1, "b1": b1, "emb2": emb2}


def reference(x0, x1, emb1, W1, b1, emb2):
    # y1 = embedding1(x0)  -> [L, word_embed_len]
    y1 = jnp.take(emb1, x0, axis=0)
    # mean over the sequence dimension
    y1 = jnp.mean(y1, axis=0)
    # linear1
    y1 = jnp.dot(y1, W1.T) + b1
    # y2 = embedding2(x1)  -> [1, dp_size]
    y2 = jnp.take(emb2, x1, axis=0)
    y2 = jnp.reshape(y2, (y2.shape[1],))
    y = jnp.dot(y1, y2)
    y = jax.nn.sigmoid(y)
    return y

if __name__ == "__main__":
    import jax
    _d = setup_inputs()
    print(jax.jit(kernel)(*tuple(_d.values())))

</pallas_src>

<mosaic_0001>
#map = affine_map<(d0, d1) -> (0)>
#map1 = affine_map<(d0, d1) -> (0, 0)>
module attributes {stable_mosaic.version = 14 : i64} {
  func.func @_sc_body(%arg0: i32, %arg1: i32, %arg2: memref<200xi32, #tpu.memory_space<hbm>>, %arg3: memref<1xi32, #tpu.memory_space<hbm>>, %arg4: memref<100000x128xf32, #tpu.memory_space<hbm>>, %arg5: memref<1000x128xf32, #tpu.memory_space<hbm>>, %arg6: memref<128x128xf32, #tpu.memory_space<hbm>>, %arg7: memref<128xf32, #tpu.memory_space<hbm>>, %arg8: memref<16xf32, #tpu.memory_space<hbm>>, %arg9: memref<16xi32, #tpu.memory_space<vmem>>, %arg10: memref<16x128xf32, #tpu.memory_space<vmem>>, %arg11: memref<30x128xf32, #tpu.memory_space<vmem>>, %arg12: memref<8x128xf32, #tpu.memory_space<vmem>>, %arg13: memref<128xf32, #tpu.memory_space<vmem>>, %arg14: memref<16xf32, #tpu.memory_space<vmem>>, %arg15: memref<30x128xf32, #tpu.memory_space<vmem_shared>>, %arg16: memref<!tpu.dma_semaphore, #tpu.memory_space<semaphore_mem>>, %arg17: memref<!tpu.dma_semaphore, #tpu.memory_space<semaphore_mem>>, %arg18: memref<!tpu.dma_semaphore, #tpu.memory_space<semaphore_mem>>) attributes {dimension_semantics = [#tpu.dimension_semantics<core_parallel>, #tpu.dimension_semantics<subcore_parallel>], iteration_bounds = array<i64: 1, 16>, scalar_prefetch = 0 : i64, scratch_operands = 10 : i64, tpu.core_type = #tpu.core_type<sc_vector_subcore>, window_params = [{transform_indices = #map}, {transform_indices = #map}, {transform_indices = #map1}, {transform_indices = #map1}, {transform_indices = #map1}, {transform_indices = #map}, {transform_indices = #map}]} {
    %mul3A = arith.constant 8 : i32
    %mul3A_0 = arith.muli %arg1, %mul3A : i32
    %dma_start3A = arith.constant 0 : i32
    %dma_start3A_1 = tpu.memref_slice %arg6[%mul3A_0, %dma_start3A] : memref<128x128xf32, #tpu.memory_space<hbm>> -> memref<8x128xf32, #tpu.memory_space<hbm>>
    %dma_start3A_2 = arith.constant 0 : i32
    %dma_start3A_3 = tpu.memref_slice %arg6[%mul3A_0, %dma_start3A_2] : memref<128x128xf32, #tpu.memory_space<hbm>> -> memref<8x128xf32, #tpu.memory_space<hbm>>
    tpu.enqueue_dma source(%dma_start3A_3 : memref<8x128xf32, #tpu.memory_space<hbm>>) target(%arg12 : memref<8x128xf32, #tpu.memory_space<vmem>>) target_semaphore(%arg17 : memref<!tpu.dma_semaphore, #tpu.memory_space<semaphore_mem>>)
    %eq3A = arith.constant 0 : i32
    %eq3A_4 = arith.cmpi eq, %arg1, %eq3A : i32
    %convert_element_type3A = arith.extui %eq3A_4 : i1 to i32
    %cond3A = arith.constant 0 : i32
    %cond3A_5 = arith.cmpi ne, %convert_element_type3A, %cond3A : i32
    scf.if %cond3A_5 {
      tpu.enqueue_dma source(%arg7 : memref<128xf32, #tpu.memory_space<hbm>>) target(%arg13 : memref<128xf32, #tpu.memory_space<vmem>>) target_semaphore(%arg18 : memref<!tpu.dma_semaphore, #tpu.memory_space<semaphore_mem>>)
    } else {
    }
    %lt3A = arith.constant 13 : i32
    %lt3A_6 = arith.cmpi slt, %arg1, %lt3A : i32
    %convert_element_type3A_7 = arith.extui %lt3A_6 : i1 to i32
    %cond3A_8 = arith.constant 0 : i32
    %cond3A_9 = arith.cmpi ne, %convert_element_type3A_7, %cond3A_8 : i32
    scf.if %cond3A_9 {
      %mul3A_172 = arith.constant 16 : i32
      %mul3A_173 = arith.muli %arg1, %mul3A_172 : i32
      %min3A = arith.constant 184 : i32
      %min3A_174 = arith.minsi %mul3A_173, %min3A : i32
      %mul3A_175 = arith.constant 16 : i32
      %mul3A_176 = arith.muli %arg1, %mul3A_175 : i32
      %sub3A_177 = arith.subi %mul3A_176, %min3A_174 : i32
      "tpu.region"() ({
        %run_scoped3A = tpu.sem_alloc : memref<!tpu.dma_semaphore, #tpu.memory_space<semaphore_mem>>
        %dma_start3A_240 = tpu.memref_slice %arg2[%min3A_174] : memref<200xi32, #tpu.memory_space<hbm>> -> memref<16xi32, #tpu.memory_space<hbm>>
        %dma_start3A_241 = tpu.memref_slice %arg2[%min3A_174] : memref<200xi32, #tpu.memory_space<hbm>> -> memref<16xi32, #tpu.memory_space<hbm>>
        tpu.enqueue_dma source(%dma_start3A_241 : memref<16xi32, #tpu.memory_space<hbm>>) target(%arg9 : memref<16xi32, #tpu.memory_space<vmem>>) target_semaphore(%run_scoped3A : memref<!tpu.dma_semaphore, #tpu.memory_space<semaphore_mem>>)
        %dma_wait3A_242 = tpu.memref_slice %arg2[%min3A_174] : memref<200xi32, #tpu.memory_space<hbm>> -> memref<16xi32, #tpu.memory_space<hbm>>
        %dma_wait3A_243 = tpu.memref_slice %arg2[%min3A_174] : memref<200xi32, #tpu.memory_space<hbm>> -> memref<16xi32, #tpu.memory_space<hbm>>
        tpu.wait_dma2 semaphore(%run_scoped3A : memref<!tpu.dma_semaphore, #tpu.memory_space<semaphore_mem>>) src(%dma_wait3A_243 : memref<16xi32, #tpu.memory_space<hbm>>) dst(%arg9 : memref<16xi32, #tpu.memory_space<vmem>>)
        tpu.yield
      }) : () -> ()
      %dma_start3A_178 = arith.constant 0 : i32
      %dma_start3A_179 = arith.constant 0 : i32
      %dma_start3A_180 = tpu.memref_slice %arg4[%dma_start3A_178, %dma_start3A_179] : memref<100000x128xf32, #tpu.memory_space<hbm>> -> memref<100000x128xf32, #tpu.memory_space<hbm>>
      tpu.enqueue_indirect_dma source(%dma_start3A_180 : memref<100000x128xf32, #tpu.memory_space<hbm>>) target(%arg10 : memref<16x128xf32, #tpu.memory_space<vmem>>) offsets(%arg9 : memref<16xi32, #tpu.memory_space<vmem>>) semaphore(%arg16 : memref<!tpu.dma_semaphore, #tpu.memory_space<semaphore_mem>>)
      %dma_wait3A_181 = arith.constant 0 : i32
      %dma_wait3A_182 = arith.constant 0 : i32
      %dma_wait3A_183 = tpu.memref_slice %arg4[%dma_wait3A_181, %dma_wait3A_182] : memref<100000x128xf32, #tpu.memory_space<hbm>> -> memref<100000x128xf32, #tpu.memory_space<hbm>>
      tpu.wait_indirect_dma semaphore(%arg16 : memref<!tpu.dma_semaphore, #tpu.memory_space<semaphore_mem>>) src(%dma_wait3A_183 : memref<100000x128xf32, #tpu.memory_space<hbm>>) dst(%arg10 : memref<16x128xf32, #tpu.memory_space<vmem>>)
      %broadcast_in_dim3A_184 = arith.constant 0.000000e+00 : f32
      %broadcast_in_dim3A_185 = vector.broadcast %broadcast_in_dim3A_184 : f32 to vector<16xf32>
      %scan3A_186 = arith.constant 0 : i32
      %scan3A_187 = arith.constant 16 : i32
      %scan3A_188 = arith.addi %scan3A_186, %scan3A_187 : i32
      %scan3A_189 = arith.constant 1 : i32
      %scan3A_190:8 = scf.for %scan3A_240 = %scan3A_186 to %scan3A_188 step %scan3A_189 iter_args(%scan3A_241 = %broadcast_in_dim3A_185, %scan3A_242 = %broadcast_in_dim3A_185, %scan3A_243 = %broadcast_in_dim3A_185, %scan3A_244 = %broadcast_in_dim3A_185, %scan3A_245 = %broadcast_in_dim3A_185, %scan3A_246 = %broadcast_in_dim3A_185, %scan3A_247 = %broadcast_in_dim3A_185, %scan3A_248 = %broadcast_in_dim3A_185) -> (vector<16xf32>, vector<16xf32>, vector<16xf32>, vector<16xf32>, vector<16xf32>, vector<16xf32>, vector<16xf32>, vector<16xf32>)  : i32 {
        %ge3A = arith.cmpi sge, %scan3A_240, %sub3A_177 : i32
        %jit3A_249 = arith.constant 1.000000e+00 : f32
        %jit3A_250 = arith.constant 0.000000e+00 : f32
        %select_n3A_251 = arith.select %ge3A, %jit3A_249, %jit3A_250 : f32
        %get3A_252 = arith.index_cast %scan3A_240 : i32 to index
        %get3A_253 = arith.constant 0 : index
        %get3A_254 = tpu.vector_load %arg10[%get3A_252, %get3A_253] {strides = array<i32>} : memref<16x128xf32, #tpu.memory_space<vmem>>, vector<1x16xf32>,
        %get3A_255 = vector.shape_cast %get3A_254 : vector<1x16xf32> to vector<16xf32>
        %mul3A_256 = vector.broadcast %select_n3A_251 : f32 to vector<16xf32>
        %mul3A_257 = arith.mulf %mul3A_256, %get3A_255 : vector<16xf32>
        %add3A_258 = arith.addf %scan3A_241, %mul3A_257 : vector<16xf32>
        %get3A_259 = arith.index_cast %scan3A_240 : i32 to index
        %get3A_260 = arith.constant 16 : index
        %get3A_261 = tpu.vector_load %arg10[%get3A_259, %get3A_260] {strides = array<i32>} : memref<16x128xf32, #tpu.memory_space<vmem>>, vector<1x16xf32>,
        %get3A_262 = vector.shape_cast %get3A_261 : vector<1x16xf32> to vector<16xf32>
        %mul3A_263 = vector.broadcast %select_n3A_251 : f32 to vector<16xf32>
        %mul3A_264 = arith.mulf %mul3A_263, %get3A_262 : vector<16xf32>
        %add3A_265 = arith.addf %scan3A_242, %mul3A_264 : vector<16xf32>
        %get3A_266 = arith.index_cast %scan3A_240 : i32 to index
        %get3A_267 = arith.constant 32 : index
        %get3A_268 = tpu.vector_load %arg10[%get3A_266, %get3A_267] {strides = array<i32>} : memref<16x128xf32, #tpu.memory_space<vmem>>, vector<1x16xf32>,
        %get3A_269 = vector.shape_cast %get3A_268 : vector<1x16xf32> to vector<16xf32>
        %mul3A_270 = vector.broadcast %select_n3A_251 : f32 to vector<16xf32>
        %mul3A_271 = arith.mulf %mul3A_270, %get3A_269 : vector<16xf32>
        %add3A_272 = arith.addf %scan3A_243, %mul3A_271 : vector<16xf32>
        %get3A_273 = arith.index_cast %scan3A_240 : i32 to index
        %get3A_274 = arith.constant 48 : index
        %get3A_275 = tpu.vector_load %arg10[%get3A_273, %get3A_274] {strides = array<i32>} : memref<16x128xf32, #tpu.memory_space<vmem>>, vector<1x16xf32>,
        %get3A_276 = vector.shape_cast %get3A_275 : vector<1x16xf32> to vector<16xf32>
        %mul3A_277 = vector.broadcast %select_n3A_251 : f32 to vector<16xf32>
        %mul3A_278 = arith.mulf %mul3A_277, %get3A_276 : vector<16xf32>
        %add3A_279 = arith.addf %scan3A_244, %mul3A_278 : vector<16xf32>
        %get3A_280 = arith.index_cast %scan3A_240 : i32 to index
        %get3A_281 = arith.constant 64 : index
        %get3A_282 = tpu.vector_load %arg10[%get3A_280, %get3A_281] {strides = array<i32>} : memref<16x128xf32, #tpu.memory_space<vmem>>, vector<1x16xf32>,
        %get3A_283 = vector.shape_cast %get3A_282 : vector<1x16xf32> to vector<16xf32>
        %mul3A_284 = vector.broadcast %select_n3A_251 : f32 to vector<16xf32>
        %mul3A_285 = arith.mulf %mul3A_284, %get3A_283 : vector<16xf32>
        %add3A_286 = arith.addf %scan3A_245, %mul3A_285 : vector<16xf32>
        %get3A_287 = arith.index_cast %scan3A_240 : i32 to index
        %get3A_288 = arith.constant 80 : index
        %get3A_289 = tpu.vector_load %arg10[%get3A_287, %get3A_288] {strides = array<i32>} : memref<16x128xf32, #tpu.memory_space<vmem>>, vector<1x16xf32>,
        %get3A_290 = vector.shape_cast %get3A_289 : vector<1x16xf32> to vector<16xf32>
        %mul3A_291 = vector.broadcast %select_n3A_251 : f32 to vector<16xf32>
        %mul3A_292 = arith.mulf %mul3A_291, %get3A_290 : vector<16xf32>
        %add3A_293 = arith.addf %scan3A_246, %mul3A_292 : vector<16xf32>
        %get3A_294 = arith.index_cast %scan3A_240 : i32 to index
        %get3A_295 = arith.constant 96 : index
        %get3A_296 = tpu.vector_load %arg10[%get3A_294, %get3A_295] {strides = array<i32>} : memref<16x128xf32, #tpu.memory_space<vmem>>, vector<1x16xf32>,
        %get3A_297 = vector.shape_cast %get3A_296 : vector<1x16xf32> to vector<16xf32>
        %mul3A_298 = vector.broadcast %select_n3A_251 : f32 to vector<16xf32>
        %mul3A_299 = arith.mulf %mul3A_298, %get3A_297 : vector<16xf32>
        %add3A_300 = arith.addf %scan3A_247, %mul3A_299 : vector<16xf32>
        %get3A_301 = arith.index_cast %scan3A_240 : i32 to index
        %get3A_302 = arith.constant 112 : index
        %get3A_303 = tpu.vector_load %arg10[%get3A_301, %get3A_302] {strides = array<i32>} : memref<16x128xf32, #tpu.memory_space<vmem>>, vector<1x16xf32>,
        %get3A_304 = vector.shape_cast %get3A_303 : vector<1x16xf32> to vector<16xf32>
        %mul3A_305 = vector.broadcast %select_n3A_251 : f32 to vector<16xf32>
        %mul3A_306 = arith.mulf %mul3A_305, %get3A_304 : vector<16xf32>
        %add3A_307 = arith.addf %scan3A_248, %mul3A_306 : vector<16xf32>
        scf.yield %add3A_258, %add3A_265, %add3A_272, %add3A_279, %add3A_286, %add3A_293, %add3A_300, %add3A_307 : vector<16xf32>, vector<16xf32>, vector<16xf32>, vector<16xf32>, vector<16xf32>, vector<16xf32>, vector<16xf32>, vector<16xf32>
      }
      %scan3A_191 = arith.constant 16 : i32
      %swap3A_192 = arith.constant 1 : i32
      %swap3A_193 = arith.index_cast %swap3A_192 : i32 to index
      %swap3A_194 = arith.constant 0 : index
      %swap3A_195 = tpu.vector_load %arg11[%swap3A_193, %swap3A_194] {strides = array<i32>} : memref<30x128xf32, #tpu.memory_space<vmem>>, vector<1x16xf32>,
      %swap3A_196 = vector.shape_cast %swap3A_195 : vector<1x16xf32> to vector<16xf32>
      %swap3A_197 = vector.shape_cast %scan3A_190#0 : vector<16xf32> to vector<1x16xf32>
      tpu.vector_store %arg11[%swap3A_193, %swap3A_194], %swap3A_197 {strides = array<i32>} : memref<30x128xf32, #tpu.memory_space<vmem>>, vector<1x16xf32>,
      %swap3A_198 = arith.constant 1 : i32
      %swap3A_199 = arith.index_cast %swap3A_198 : i32 to index
      %swap3A_200 = arith.constant 16 : index
      %swap3A_201 = tpu.vector_load %arg11[%swap3A_199, %swap3A_200] {strides = array<i32>} : memref<30x128xf32, #tpu.memory_space<vmem>>, vector<1x16xf32>,
      %swap3A_202 = vector.shape_cast %swap3A_201 : vector<1x16xf32> to vector<16xf32>
      %swap3A_203 = vector.shape_cast %scan3A_190#1 : vector<16xf32> to vector<1x16xf32>
      tpu.vector_store %arg11[%swap3A_199, %swap3A_200], %swap3A_203 {strides = array<i32>} : memref<30x128xf32, #tpu.memory_space<vmem>>, vector<1x16xf32>,
      %swap3A_204 = arith.constant 1 : i32
      %swap3A_205 = arith.index_cast %swap3A_204 : i32 to index
      %swap3A_206 = arith.constant 32 : index
      %swap3A_207 = tpu.vector_load %arg11[%swap3A_205, %swap3A_206] {strides = array<i32>} : memref<30x128xf32, #tpu.memory_space<vmem>>, vector<1x16xf32>,
      %swap3A_208 = vector.shape_cast %swap3A_207 : vector<1x16xf32> to vector<16xf32>
      %swap3A_209 = vector.shape_cast %scan3A_190#2 : vector<16xf32> to vector<1x16xf32>
      tpu.vector_store %arg11[%swap3A_205, %swap3A_206], %swap3A_209 {strides = array<i32>} : memref<30x128xf32, #tpu.memory_space<vmem>>, vector<1x16xf32>,
      %swap3A_210 = arith.constant 1 : i32
      %swap3A_211 = arith.index_cast %swap3A_210 : i32 to index
      %swap3A_212 = arith.constant 48 : index
      %swap3A_213 = tpu.vector_load %arg11[%swap3A_211, %swap3A_212] {strides = array<i32>} : memref<30x128xf32, #tpu.memory_space<vmem>>, vector<1x16xf32>,
      %swap3A_214 = vector.shape_cast %swap3A_213 : vector<1x16xf32> to vector<16xf32>
      %swap3A_215 = vector.shape_cast %scan3A_190#3 : vector<16xf32> to vector<1x16xf32>
      tpu.vector_store %arg11[%swap3A_211, %swap3A_212], %swap3A_215 {strides = array<i32>} : memref<30x128xf32, #tpu.memory_space<vmem>>, vector<1x16xf32>,
      %swap3A_216 = arith.constant 1 : i32
      %swap3A_217 = arith.index_cast %swap3A_216 : i32 to index
      %swap3A_218 = arith.constant 64 : index
      %swap3A_219 = tpu.vector_load %arg11[%swap3A_217, %swap3A_218] {strides = array<i32>} : memref<30x128xf32, #tpu.memory_space<vmem>>, vector<1x16xf32>,
      %swap3A_220 = vector.shape_cast %swap3A_219 : vector<1x16xf32> to vector<16xf32>
      %swap3A_221 = vector.shape_cast %scan3A_190#4 : vector<16xf32> to vector<1x16xf32>
      tpu.vector_store %arg11[%swap3A_217, %swap3A_218], %swap3A_221 {strides = array<i32>} : memref<30x128xf32, #tpu.memory_space<vmem>>, vector<1x16xf32>,
      %swap3A_222 = arith.constant 1 : i32
      %swap3A_223 = arith.index_cast %swap3A_222 : i32 to index
      %swap3A_224 = arith.constant 80 : index
      %swap3A_225 = tpu.vector_load %arg11[%swap3A_223, %swap3A_224] {strides = array<i32>} : memref<30x128xf32, #tpu.memory_space<vmem>>, vector<1x16xf32>,
      %swap3A_226 = vector.shape_cast %swap3A_225 : vector<1x16xf32> to vector<16xf32>
      %swap3A_227 = vector.shape_cast %scan3A_190#5 : vector<16xf32> to vector<1x16xf32>
      tpu.vector_store %arg11[%swap3A_223, %swap3A_224], %swap3A_227 {strides = array<i32>} : memref<30x128xf32, #tpu.memory_space<vmem>>, vector<1x16xf32>,
      %swap3A_228 = arith.constant 1 : i32
      %swap3A_229 = arith.index_cast %swap3A_228 : i32 to index
      %swap3A_230 = arith.constant 96 : index
      %swap3A_231 = tpu.vector_load %arg11[%swap3A_229, %swap3A_230] {strides = array<i32>} : memref<30x128xf32, #tpu.memory_space<vmem>>, vector<1x16xf32>,
      %swap3A_232 = vector.shape_cast %swap3A_231 : vector<1x16xf32> to vector<16xf32>
      %swap3A_233 = vector.shape_cast %scan3A_190#6 : vector<16xf32> to vector<1x16xf32>
      tpu.vector_store %arg11[%swap3A_229, %swap3A_230], %swap3A_233 {strides = array<i32>} : memref<30x128xf32, #tpu.memory_space<vmem>>, vector<1x16xf32>,
      %swap3A_234 = arith.constant 1 : i32
      %swap3A_235 = arith.index_cast %swap3A_234 : i32 to index
      %swap3A_236 = arith.constant 112 : index
      %swap3A_237 = tpu.vector_load %arg11[%swap3A_235, %swap3A_236] {strides = array<i32>} : memref<30x128xf32, #tpu.memory_space<vmem>>, vector<1x16xf32>,
      %swap3A_238 = vector.shape_cast %swap3A_237 : vector<1x16xf32> to vector<16xf32>
      %swap3A_239 = vector.shape_cast %scan3A_190#7 : vector<16xf32> to vector<1x16xf32>
      tpu.vector_store %arg11[%swap3A_235, %swap3A_236], %swap3A_239 {strides = array<i32>} : memref<30x128xf32, #tpu.memory_space<vmem>>, vector<1x16xf32>,
      "tpu.region"() ({
        %run_scoped3A = tpu.sem_alloc : memref<!tpu.dma_semaphore, #tpu.memory_space<semaphore_mem>>
        %dma_start3A_240 = arith.constant 1 : i32
        %dma_start3A_241 = arith.constant 0 : i32
        %dma_start3A_242 = tpu.memref_slice %arg11[%dma_start3A_240, %dma_start3A_241] : memref<30x128xf32, #tpu.memory_space<vmem>> -> memref<1x128xf32, #tpu.memory_space<vmem>>
        %dma_start3A_243 = arith.constant 0 : i32
        %dma_start3A_244 = tpu.memref_slice %arg15[%arg1, %dma_start3A_243] : memref<30x128xf32, #tpu.memory_space<vmem_shared>> -> memref<1x128xf32, #tpu.memory_space<vmem_shared>>
        %dma_start3A_245 = arith.constant 0 : i32
        %dma_start3A_246 = tpu.memref_slice %arg15[%arg1, %dma_start3A_245] : memref<30x128xf32, #tpu.memory_space<vmem_shared>> -> memref<1x128xf32, #tpu.memory_space<vmem_shared>>
        %dma_start3A_247 = arith.constant 1 : i32
        %dma_start3A_248 = arith.constant 0 : i32
        %dma_start3A_249 = tpu.memref_slice %arg11[%dma_start3A_247, %dma_start3A_248] : memref<30x128xf32, #tpu.memory_space<vmem>> -> memref<1x128xf32, #tpu.memory_space<vmem>>
        tpu.enqueue_dma source(%dma_start3A_249 : memref<1x128xf32, #tpu.memory_space<vmem>>) target(%dma_start3A_246 : memref<1x128xf32, #tpu.memory_space<vmem_shared>>) target_semaphore(%run_scoped3A : memref<!tpu.dma_semaphore, #tpu.memory_space<semaphore_mem>>)
        %dma_wait3A_250 = arith.constant 1 : i32
        %dma_wait3A_251 = arith.constant 0 : i32
        %dma_wait3A_252 = tpu.memref_slice %arg11[%dma_wait3A_250, %dma_wait3A_251] : memref<30x128xf32, #tpu.memory_space<vmem>> -> memref<1x128xf32, #tpu.memory_space<vmem>>
        %dma_wait3A_253 = arith.constant 0 : i32
        %dma_wait3A_254 = tpu.memref_slice %arg15[%arg1, %dma_wait3A_253] : memref<30x128xf32, #tpu.memory_space<vmem_shared>> -> memref<1x128xf32, #tpu.memory_space<vmem_shared>>
        %dma_wait3A_255 = arith.constant 0 : i32
        %dma_wait3A_256 = tpu.memref_slice %arg15[%arg1, %dma_wait3A_255] : memref<30x128xf32, #tpu.memory_space<vmem_shared>> -> memref<1x128xf32, #tpu.memory_space<vmem_shared>>
        %dma_wait3A_257 = arith.constant 1 : i32
        %dma_wait3A_258 = arith.constant 0 : i32
        %dma_wait3A_259 = tpu.memref_slice %arg11[%dma_wait3A_257, %dma_wait3A_258] : memref<30x128xf32, #tpu.memory_space<vmem>> -> memref<1x128xf32, #tpu.memory_space<vmem>>
        tpu.wait_dma2 semaphore(%run_scoped3A : memref<!tpu.dma_semaphore, #tpu.memory_space<semaphore_mem>>) src(%dma_wait3A_259 : memref<1x128xf32, #tpu.memory_space<vmem>>) dst(%dma_wait3A_256 : memref<1x128xf32, #tpu.memory_space<vmem_shared>>)
        tpu.yield
      }) : () -> ()
    } else {
    }
    %eq3A_10 = arith.constant 13 : i32
    %eq3A_11 = arith.cmpi eq, %arg1, %eq3A_10 : i32
    %convert_element_type3A_12 = arith.extui %eq3A_11 : i1 to i32
    %cond3A_13 = arith.constant 0 : i32
    %cond3A_14 = arith.cmpi ne, %convert_element_type3A_12, %cond3A_13 : i32
    scf.if %cond3A_14 {
      "tpu.region"() ({
        %run_scoped3A = tpu.sem_alloc : memref<!tpu.dma_semaphore, #tpu.memory_space<semaphore_mem>>
        %dma_start3A_188 = arith.constant 0 : i32
        %dma_start3A_189 = tpu.memref_slice %arg9[%dma_start3A_188] : memref<16xi32, #tpu.memory_space<vmem>> -> memref<1xi32, #tpu.memory_space<vmem>>
        %dma_start3A_190 = arith.constant 0 : i32
        %dma_start3A_191 = tpu.memref_slice %arg9[%dma_start3A_190] : memref<16xi32, #tpu.memory_space<vmem>> -> memref<1xi32, #tpu.memory_space<vmem>>
        tpu.enqueue_dma source(%arg3 : memref<1xi32, #tpu.memory_space<hbm>>) target(%dma_start3A_191 : memref<1xi32, #tpu.memory_space<vmem>>) target_semaphore(%run_scoped3A : memref<!tpu.dma_semaphore, #tpu.memory_space<semaphore_mem>>)
        %dma_wait3A_192 = arith.constant 0 : i32
        %dma_wait3A_193 = tpu.memref_slice %arg9[%dma_wait3A_192] : memref<16xi32, #tpu.memory_space<vmem>> -> memref<1xi32, #tpu.memory_space<vmem>>
        %dma_wait3A_194 = arith.constant 0 : i32
        %dma_wait3A_195 = tpu.memref_slice %arg9[%dma_wait3A_194] : memref<16xi32, #tpu.memory_space<vmem>> -> memref<1xi32, #tpu.memory_space<vmem>>
        tpu.wait_dma2 semaphore(%run_scoped3A : memref<!tpu.dma_semaphore, #tpu.memory_space<semaphore_mem>>) src(%arg3 : memref<1xi32, #tpu.memory_space<hbm>>) dst(%dma_wait3A_195 : memref<1xi32, #tpu.memory_space<vmem>>)
        tpu.yield
      }) : () -> ()
      %dma_start3A_172 = arith.constant 0 : i32
      %dma_start3A_173 = arith.constant 0 : i32
      %dma_start3A_174 = tpu.memref_slice %arg11[%dma_start3A_172, %dma_start3A_173] : memref<30x128xf32, #tpu.memory_space<vmem>> -> memref<1x128xf32, #tpu.memory_space<vmem>>
      %dma_start3A_175 = arith.constant 0 : i32
      %dma_start3A_176 = tpu.memref_slice %arg9[%dma_start3A_175] : memref<16xi32, #tpu.memory_space<vmem>> -> memref<1xi32, #tpu.memory_space<vmem>>
      %dma_start3A_177 = arith.constant 0 : i32
      %dma_start3A_178 = arith.constant 0 : i32
      %dma_start3A_179 = tpu.memref_slice %arg5[%dma_start3A_177, %dma_start3A_178] : memref<1000x128xf32, #tpu.memory_space<hbm>> -> memref<1000x128xf32, #tpu.memory_space<hbm>>
      tpu.enqueue_indirect_dma source(%dma_start3A_179 : memref<1000x128xf32, #tpu.memory_space<hbm>>) target(%dma_start3A_174 : memref<1x128xf32, #tpu.memory_space<vmem>>) offsets(%dma_start3A_176 : memref<1xi32, #tpu.memory_space<vmem>>) semaphore(%arg16 : memref<!tpu.dma_semaphore, #tpu.memory_space<semaphore_mem>>)
      %dma_wait3A_180 = arith.constant 0 : i32
      %dma_wait3A_181 = arith.constant 0 : i32
      %dma_wait3A_182 = tpu.memref_slice %arg11[%dma_wait3A_180, %dma_wait3A_181] : memref<30x128xf32, #tpu.memory_space<vmem>> -> memref<1x128xf32, #tpu.memory_space<vmem>>
      %dma_wait3A_183 = arith.constant 0 : i32
      %dma_wait3A_184 = tpu.memref_slice %arg9[%dma_wait3A_183] : memref<16xi32, #tpu.memory_space<vmem>> -> memref<1xi32, #tpu.memory_space<vmem>>
      %dma_wait3A_185 = arith.constant 0 : i32
      %dma_wait3A_186 = arith.constant 0 : i32
      %dma_wait3A_187 = tpu.memref_slice %arg5[%dma_wait3A_185, %dma_wait3A_186] : memref<1000x128xf32, #tpu.memory_space<hbm>> -> memref<1000x128xf32, #tpu.memory_space<hbm>>
      tpu.wait_indirect_dma semaphore(%arg16 : memref<!tpu.dma_semaphore, #tpu.memory_space<semaphore_mem>>) src(%dma_wait3A_187 : memref<1000x128xf32, #tpu.memory_space<hbm>>) dst(%dma_wait3A_182 : memref<1x128xf32, #tpu.memory_space<vmem>>)
      "tpu.region"() ({
        %run_scoped3A = tpu.sem_alloc : memref<!tpu.dma_semaphore, #tpu.memory_space<semaphore_mem>>
        %dma_start3A_188 = arith.constant 0 : i32
        %dma_start3A_189 = arith.constant 0 : i32
        %dma_start3A_190 = tpu.memref_slice %arg11[%dma_start3A_188, %dma_start3A_189] : memref<30x128xf32, #tpu.memory_space<vmem>> -> memref<1x128xf32, #tpu.memory_space<vmem>>
        %dma_start3A_191 = arith.constant 13 : i32
        %dma_start3A_192 = arith.constant 0 : i32
        %dma_start3A_193 = tpu.memref_slice %arg15[%dma_start3A_191, %dma_start3A_192] : memref<30x128xf32, #tpu.memory_space<vmem_shared>> -> memref<1x128xf32, #tpu.memory_space<vmem_shared>>
        %dma_start3A_194 = arith.constant 13 : i32
        %dma_start3A_195 = arith.constant 0 : i32
        %dma_start3A_196 = tpu.memref_slice %arg15[%dma_start3A_194, %dma_start3A_195] : memref<30x128xf32, #tpu.memory_space<vmem_shared>> -> memref<1x128xf32, #tpu.memory_space<vmem_shared>>
        %dma_start3A_197 = arith.constant 0 : i32
        %dma_start3A_198 = arith.constant 0 : i32
        %dma_start3A_199 = tpu.memref_slice %arg11[%dma_start3A_197, %dma_start3A_198] : memref<30x128xf32, #tpu.memory_space<vmem>> -> memref<1x128xf32, #tpu.memory_space<vmem>>
        tpu.enqueue_dma source(%dma_start3A_199 : memref<1x128xf32, #tpu.memory_space<vmem>>) target(%dma_start3A_196 : memref<1x128xf32, #tpu.memory_space<vmem_shared>>) target_semaphore(%run_scoped3A : memref<!tpu.dma_semaphore, #tpu.memory_space<semaphore_mem>>)
        %dma_wait3A_200 = arith.constant 0 : i32
        %dma_wait3A_201 = arith.constant 0 : i32
        %dma_wait3A_202 = tpu.memref_slice %arg11[%dma_wait3A_200, %dma_wait3A_201] : memref<30x128xf32, #tpu.memory_space<vmem>> -> memref<1x128xf32, #tpu.memory_space<vmem>>
        %dma_wait3A_203 = arith.constant 13 : i32
        %dma_wait3A_204 = arith.constant 0 : i32
        %dma_wait3A_205 = tpu.memref_slice %arg15[%dma_wait3A_203, %dma_wait3A_204] : memref<30x128xf32, #tpu.memory_space<vmem_shared>> -> memref<1x128xf32, #tpu.memory_space<vmem_shared>>
        %dma_wait3A_206 = arith.constant 13 : i32
        %dma_wait3A_207 = arith.constant 0 : i32
        %dma_wait3A_208 = tpu.memref_slice %arg15[%dma_wait3A_206, %dma_wait3A_207] : memref<30x128xf32, #tpu.memory_space<vmem_shared>> -> memref<1x128xf32, #tpu.memory_space<vmem_shared>>
        %dma_wait3A_209 = arith.constant 0 : i32
        %dma_wait3A_210 = arith.constant 0 : i32
        %dma_wait3A_211 = tpu.memref_slice %arg11[%dma_wait3A_209, %dma_wait3A_210] : memref<30x128xf32, #tpu.memory_space<vmem>> -> memref<1x128xf32, #tpu.memory_space<vmem>>
        tpu.wait_dma2 semaphore(%run_scoped3A : memref<!tpu.dma_semaphore, #tpu.memory_space<semaphore_mem>>) src(%dma_wait3A_211 : memref<1x128xf32, #tpu.memory_space<vmem>>) dst(%dma_wait3A_208 : memref<1x128xf32, #tpu.memory_space<vmem_shared>>)
        tpu.yield
      }) : () -> ()
    } else {
    }
    %barrier3A = arith.constant 0 : index
    tpu.barrier barrier_id(%barrier3A)
    "tpu.region"() ({
      %run_scoped3A = tpu.sem_alloc : memref<!tpu.dma_semaphore, #tpu.memory_space<semaphore_mem>>
      %dma_start3A_172 = arith.constant 0 : i32
      %dma_start3A_173 = arith.constant 0 : i32
      %dma_start3A_174 = tpu.memref_slice %arg11[%dma_start3A_172, %dma_start3A_173] : memref<30x128xf32, #tpu.memory_space<vmem>> -> memref<1x128xf32, #tpu.memory_space<vmem>>
      %dma_start3A_175 = arith.constant 13 : i32
      %dma_start3A_176 = arith.constant 0 : i32
      %dma_start3A_177 = tpu.memref_slice %arg15[%dma_start3A_175, %dma_start3A_176] : memref<30x128xf32, #tpu.memory_space<vmem_shared>> -> memref<1x128xf32, #tpu.memory_space<vmem_shared>>
      %dma_start3A_178 = arith.constant 0 : i32
      %dma_start3A_179 = arith.constant 0 : i32
      %dma_start3A_180 = tpu.memref_slice %arg11[%dma_start3A_178, %dma_start3A_179] : memref<30x128xf32, #tpu.memory_space<vmem>> -> memref<1x128xf32, #tpu.memory_space<vmem>>
      %dma_start3A_181 = arith.constant 13 : i32
      %dma_start3A_182 = arith.constant 0 : i32
      %dma_start3A_183 = tpu.memref_slice %arg15[%dma_start3A_181, %dma_start3A_182] : memref<30x128xf32, #tpu.memory_space<vmem_shared>> -> memref<1x128xf32, #tpu.memory_space<vmem_shared>>
      tpu.enqueue_dma source(%dma_start3A_183 : memref<1x128xf32, #tpu.memory_space<vmem_shared>>) target(%dma_start3A_180 : memref<1x128xf32, #tpu.memory_space<vmem>>) target_semaphore(%run_scoped3A : memref<!tpu.dma_semaphore, #tpu.memory_space<semaphore_mem>>)
      %dma_wait3A_184 = arith.constant 0 : i32
      %dma_wait3A_185 = arith.constant 0 : i32
      %dma_wait3A_186 = tpu.memref_slice %arg11[%dma_wait3A_184, %dma_wait3A_185] : memref<30x128xf32, #tpu.memory_space<vmem>> -> memref<1x128xf32, #tpu.memory_space<vmem>>
      %dma_wait3A_187 = arith.constant 13 : i32
      %dma_wait3A_188 = arith.constant 0 : i32
      %dma_wait3A_189 = tpu.memref_slice %arg15[%dma_wait3A_187, %dma_wait3A_188] : memref<30x128xf32, #tpu.memory_space<vmem_shared>> -> memref<1x128xf32, #tpu.memory_space<vmem_shared>>
      %dma_wait3A_190 = arith.constant 0 : i32
      %dma_wait3A_191 = arith.constant 0 : i32
      %dma_wait3A_192 = tpu.memref_slice %arg11[%dma_wait3A_190, %dma_wait3A_191] : memref<30x128xf32, #tpu.memory_space<vmem>> -> memref<1x128xf32, #tpu.memory_space<vmem>>
      %dma_wait3A_193 = arith.constant 13 : i32
      %dma_wait3A_194 = arith.constant 0 : i32
      %dma_wait3A_195 = tpu.memref_slice %arg15[%dma_wait3A_193, %dma_wait3A_194] : memref<30x128xf32, #tpu.memory_space<vmem_shared>> -> memref<1x128xf32, #tpu.memory_space<vmem_shared>>
      tpu.wait_dma2 semaphore(%run_scoped3A : memref<!tpu.dma_semaphore, #tpu.memory_space<semaphore_mem>>) src(%dma_wait3A_195 : memref<1x128xf32, #tpu.memory_space<vmem_shared>>) dst(%dma_wait3A_192 : memref<1x128xf32, #tpu.memory_space<vmem>>)
      tpu.yield
    }) : () -> ()
    %jit3A = arith.constant 2 : i32
    %div3A = arith.divsi %arg1, %jit3A : i32
    %sign3A = arith.constant 0 : i32
    %sign3A_15 = arith.cmpi sgt, %arg1, %sign3A : i32
    %sign3A_16 = arith.extui %sign3A_15 : i1 to i32
    %sign3A_17 = arith.constant 0 : i32
    %sign3A_18 = arith.cmpi slt, %arg1, %sign3A_17 : i32
    %sign3A_19 = arith.extui %sign3A_18 : i1 to i32
    %sign3A_20 = arith.subi %sign3A_16, %sign3A_19 : i32
    %sign3A_21 = arith.constant 0 : i32
    %sign3A_22 = arith.cmpi sgt, %jit3A, %sign3A_21 : i32
    %sign3A_23 = arith.extui %sign3A_22 : i1 to i32
    %sign3A_24 = arith.constant 0 : i32
    %sign3A_25 = arith.cmpi slt, %jit3A, %sign3A_24 : i32
    %sign3A_26 = arith.extui %sign3A_25 : i1 to i32
    %sign3A_27 = arith.subi %sign3A_23, %sign3A_26 : i32
    %ne3A = arith.cmpi ne, %sign3A_20, %sign3A_27 : i32
    %rem3A = arith.remsi %arg1, %jit3A : i32
    %ne3A_28 = arith.constant 0 : i32
    %ne3A_29 = arith.cmpi ne, %rem3A, %ne3A_28 : i32
    %and3A = arith.andi %ne3A, %ne3A_29 : i1
    %sub3A = arith.constant 1 : i32
    %sub3A_30 = arith.subi %div3A, %sub3A : i32
    %select_n3A = arith.select %and3A, %sub3A_30, %div3A : i32
    %jit3A_31 = arith.constant 2 : i32
    %eq3A_32 = arith.constant 0 : i32
    %eq3A_33 = arith.cmpi eq, %jit3A_31, %eq3A_32 : i32
    %jit3A_34 = arith.constant 1 : i32
    %select_n3A_35 = arith.select %eq3A_33, %jit3A_34, %jit3A_31 : i32
    %rem3A_36 = arith.remsi %arg1, %select_n3A_35 : i32
    %ne3A_37 = arith.constant 0 : i32
    %ne3A_38 = arith.cmpi ne, %rem3A_36, %ne3A_37 : i32
    %lt3A_39 = arith.constant 0 : i32
    %lt3A_40 = arith.cmpi slt, %rem3A_36, %lt3A_39 : i32
    %lt3A_41 = arith.constant 0 : i32
    %lt3A_42 = arith.cmpi slt, %select_n3A_35, %lt3A_41 : i32
    %ne3A_43 = arith.xori %lt3A_40, %lt3A_42 : i1
    %and3A_44 = arith.andi %ne3A_43, %ne3A_38 : i1
    %add3A = arith.addi %rem3A_36, %select_n3A_35 : i32
    %select_n3A_45 = arith.select %and3A_44, %add3A, %rem3A_36 : i32
    %mul3A_46 = arith.constant 8 : i32
    %mul3A_47 = arith.muli %select_n3A_45, %mul3A_46 : i32
    %get3A = arith.constant 0 : i32
    %get3A_48 = arith.index_cast %get3A : i32 to index
    %get3A_49 = arith.constant 0 : index
    %get3A_50 = tpu.vector_load %arg11[%get3A_48, %get3A_49] {strides = array<i32>} : memref<30x128xf32, #tpu.memory_space<vmem>>, vector<1x16xf32>,
    %get3A_51 = vector.shape_cast %get3A_50 : vector<1x16xf32> to vector<16xf32>
    %get3A_52 = arith.constant 0 : i32
    %get3A_53 = arith.index_cast %get3A_52 : i32 to index
    %get3A_54 = arith.constant 16 : index
    %get3A_55 = tpu.vector_load %arg11[%get3A_53, %get3A_54] {strides = array<i32>} : memref<30x128xf32, #tpu.memory_space<vmem>>, vector<1x16xf32>,
    %get3A_56 = vector.shape_cast %get3A_55 : vector<1x16xf32> to vector<16xf32>
    %eq3A_57 = arith.constant 1 : i32
    %eq3A_58 = arith.cmpi eq, %select_n3A, %eq3A_57 : i32
    %select_n3A_59 = arith.select %eq3A_58, %get3A_56, %get3A_51 : vector<16xf32>
    %get3A_60 = arith.constant 0 : i32
    %get3A_61 = arith.index_cast %get3A_60 : i32 to index
    %get3A_62 = arith.constant 32 : index
    %get3A_63 = tpu.vector_load %arg11[%get3A_61, %get3A_62] {strides = array<i32>} : memref<30x128xf32, #tpu.memory_space<vmem>>, vector<1x16xf32>,
    %get3A_64 = vector.shape_cast %get3A_63 : vector<1x16xf32> to vector<16xf32>
    %eq3A_65 = arith.constant 2 : i32
    %eq3A_66 = arith.cmpi eq, %select_n3A, %eq3A_65 : i32
    %select_n3A_67 = arith.select %eq3A_66, %get3A_64, %select_n3A_59 : vector<16xf32>
    %get3A_68 = arith.constant 0 : i32
    %get3A_69 = arith.index_cast %get3A_68 : i32 to index
    %get3A_70 = arith.constant 48 : index
    %get3A_71 = tpu.vector_load %arg11[%get3A_69, %get3A_70] {strides = array<i32>} : memref<30x128xf32, #tpu.memory_space<vmem>>, vector<1x16xf32>,
    %get3A_72 = vector.shape_cast %get3A_71 : vector<1x16xf32> to vector<16xf32>
    %eq3A_73 = arith.constant 3 : i32
    %eq3A_74 = arith.cmpi eq, %select_n3A, %eq3A_73 : i32
    %select_n3A_75 = arith.select %eq3A_74, %get3A_72, %select_n3A_67 : vector<16xf32>
    %get3A_76 = arith.constant 0 : i32
    %get3A_77 = arith.index_cast %get3A_76 : i32 to index
    %get3A_78 = arith.constant 64 : index
    %get3A_79 = tpu.vector_load %arg11[%get3A_77, %get3A_78] {strides = array<i32>} : memref<30x128xf32, #tpu.memory_space<vmem>>, vector<1x16xf32>,
    %get3A_80 = vector.shape_cast %get3A_79 : vector<1x16xf32> to vector<16xf32>
    %eq3A_81 = arith.constant 4 : i32
    %eq3A_82 = arith.cmpi eq, %select_n3A, %eq3A_81 : i32
    %select_n3A_83 = arith.select %eq3A_82, %get3A_80, %select_n3A_75 : vector<16xf32>
    %get3A_84 = arith.constant 0 : i32
    %get3A_85 = arith.index_cast %get3A_84 : i32 to index
    %get3A_86 = arith.constant 80 : index
    %get3A_87 = tpu.vector_load %arg11[%get3A_85, %get3A_86] {strides = array<i32>} : memref<30x128xf32, #tpu.memory_space<vmem>>, vector<1x16xf32>,
    %get3A_88 = vector.shape_cast %get3A_87 : vector<1x16xf32> to vector<16xf32>
    %eq3A_89 = arith.constant 5 : i32
    %eq3A_90 = arith.cmpi eq, %select_n3A, %eq3A_89 : i32
    %select_n3A_91 = arith.select %eq3A_90, %get3A_88, %select_n3A_83 : vector<16xf32>
    %get3A_92 = arith.constant 0 : i32
    %get3A_93 = arith.index_cast %get3A_92 : i32 to index
    %get3A_94 = arith.constant 96 : index
    %get3A_95 = tpu.vector_load %arg11[%get3A_93, %get3A_94] {strides = array<i32>} : memref<30x128xf32, #tpu.memory_space<vmem>>, vector<1x16xf32>,
    %get3A_96 = vector.shape_cast %get3A_95 : vector<1x16xf32> to vector<16xf32>
    %eq3A_97 = arith.constant 6 : i32
    %eq3A_98 = arith.cmpi eq, %select_n3A, %eq3A_97 : i32
    %select_n3A_99 = arith.select %eq3A_98, %get3A_96, %select_n3A_91 : vector<16xf32>
    %get3A_100 = arith.constant 0 : i32
    %get3A_101 = arith.index_cast %get3A_100 : i32 to index
    %get3A_102 = arith.constant 112 : index
    %get3A_103 = tpu.vector_load %arg11[%get3A_101, %get3A_102] {strides = array<i32>} : memref<30x128xf32, #tpu.memory_space<vmem>>, vector<1x16xf32>,
    %get3A_104 = vector.shape_cast %get3A_103 : vector<1x16xf32> to vector<16xf32>
    %eq3A_105 = arith.constant 7 : i32
    %eq3A_106 = arith.cmpi eq, %select_n3A, %eq3A_105 : i32
    %select_n3A_107 = arith.select %eq3A_106, %get3A_104, %select_n3A_99 : vector<16xf32>
    %dma_wait3A = arith.constant 0 : i32
    %dma_wait3A_108 = tpu.memref_slice %arg6[%mul3A_0, %dma_wait3A] : memref<128x128xf32, #tpu.memory_space<hbm>> -> memref<8x128xf32, #tpu.memory_space<hbm>>
    %dma_wait3A_109 = arith.constant 0 : i32
    %dma_wait3A_110 = tpu.memref_slice %arg6[%mul3A_0, %dma_wait3A_109] : memref<128x128xf32, #tpu.memory_space<hbm>> -> memref<8x128xf32, #tpu.memory_space<hbm>>
    tpu.wait_dma2 semaphore(%arg17 : memref<!tpu.dma_semaphore, #tpu.memory_space<semaphore_mem>>) src(%dma_wait3A_110 : memref<8x128xf32, #tpu.memory_space<hbm>>) dst(%arg12 : memref<8x128xf32, #tpu.memory_space<vmem>>)
    %broadcast_in_dim3A = arith.constant 0.000000e+00 : f32
    %broadcast_in_dim3A_111 = vector.broadcast %broadcast_in_dim3A : f32 to vector<16xf32>
    %scan3A = arith.constant 0 : i32
    %scan3A_112 = arith.constant 8 : i32
    %scan3A_113 = arith.addi %scan3A, %scan3A_112 : i32
    %scan3A_114 = arith.constant 1 : i32
    %scan3A_115:8 = scf.for %scan3A_172 = %scan3A to %scan3A_113 step %scan3A_114 iter_args(%scan3A_173 = %broadcast_in_dim3A_111, %scan3A_174 = %broadcast_in_dim3A_111, %scan3A_175 = %broadcast_in_dim3A_111, %scan3A_176 = %broadcast_in_dim3A_111, %scan3A_177 = %broadcast_in_dim3A_111, %scan3A_178 = %broadcast_in_dim3A_111, %scan3A_179 = %broadcast_in_dim3A_111, %scan3A_180 = %broadcast_in_dim3A_111) -> (vector<16xf32>, vector<16xf32>, vector<16xf32>, vector<16xf32>, vector<16xf32>, vector<16xf32>, vector<16xf32>, vector<16xf32>)  : i32 {
      %add3A_181 = arith.addi %mul3A_47, %scan3A_172 : i32
      %broadcast_in_dim3A_182 = vector.broadcast %add3A_181 : i32 to vector<16xi32>
      %lt3A_183 = arith.constant 0 : i32
      %lt3A_184 = vector.broadcast %lt3A_183 : i32 to vector<16xi32>
      %lt3A_185 = arith.cmpi slt, %broadcast_in_dim3A_182, %lt3A_184 : vector<16xi32>
      %add3A_186 = arith.constant 16 : i32
      %add3A_187 = vector.broadcast %add3A_186 : i32 to vector<16xi32>
      %add3A_188 = arith.addi %broadcast_in_dim3A_182, %add3A_187 : vector<16xi32>
      %select_n3A_189 = arith.select %lt3A_185, %add3A_188, %broadcast_in_dim3A_182 : vector<16xi1>, vector<16xi32>
      %broadcast_in_dim3A_190 = vector.shape_cast %select_n3A_189 : vector<16xi32> to vector<16x1xi32>
      %gather3A = vector.shape_cast %broadcast_in_dim3A_190 : vector<16x1xi32> to vector<16xi32>
      %gather3A_191 = tpu.dynamic_gather %select_n3A_107[%gather3A] in [0] : vector<16xf32>, vector<16xi32> -> vector<16xf32>
      %get3A_192 = arith.index_cast %scan3A_172 : i32 to index
      %get3A_193 = arith.constant 0 : index
      %get3A_194 = tpu.vector_load %arg12[%get3A_192, %get3A_193] {strides = array<i32>} : memref<8x128xf32, #tpu.memory_space<vmem>>, vector<1x16xf32>,
      %get3A_195 = vector.shape_cast %get3A_194 : vector<1x16xf32> to vector<16xf32>
      %mul3A_196 = arith.mulf %gather3A_191, %get3A_195 : vector<16xf32>
      %add3A_197 = arith.addf %scan3A_173, %mul3A_196 : vector<16xf32>
      %get3A_198 = arith.index_cast %scan3A_172 : i32 to index
      %get3A_199 = arith.constant 16 : index
      %get3A_200 = tpu.vector_load %arg12[%get3A_198, %get3A_199] {strides = array<i32>} : memref<8x128xf32, #tpu.memory_space<vmem>>, vector<1x16xf32>,
      %get3A_201 = vector.shape_cast %get3A_200 : vector<1x16xf32> to vector<16xf32>
      %mul3A_202 = arith.mulf %gather3A_191, %get3A_201 : vector<16xf32>
      %add3A_203 = arith.addf %scan3A_174, %mul3A_202 : vector<16xf32>
      %get3A_204 = arith.index_cast %scan3A_172 : i32 to index
      %get3A_205 = arith.constant 32 : index
      %get3A_206 = tpu.vector_load %arg12[%get3A_204, %get3A_205] {strides = array<i32>} : memref<8x128xf32, #tpu.memory_space<vmem>>, vector<1x16xf32>,
      %get3A_207 = vector.shape_cast %get3A_206 : vector<1x16xf32> to vector<16xf32>
      %mul3A_208 = arith.mulf %gather3A_191, %get3A_207 : vector<16xf32>
      %add3A_209 = arith.addf %scan3A_175, %mul3A_208 : vector<16xf32>
      %get3A_210 = arith.index_cast %scan3A_172 : i32 to index
      %get3A_211 = arith.constant 48 : index
      %get3A_212 = tpu.vector_load %arg12[%get3A_210, %get3A_211] {strides = array<i32>} : memref<8x128xf32, #tpu.memory_space<vmem>>, vector<1x16xf32>,
      %get3A_213 = vector.shape_cast %get3A_212 : vector<1x16xf32> to vector<16xf32>
      %mul3A_214 = arith.mulf %gather3A_191, %get3A_213 : vector<16xf32>
      %add3A_215 = arith.addf %scan3A_176, %mul3A_214 : vector<16xf32>
      %get3A_216 = arith.index_cast %scan3A_172 : i32 to index
      %get3A_217 = arith.constant 64 : index
      %get3A_218 = tpu.vector_load %arg12[%get3A_216, %get3A_217] {strides = array<i32>} : memref<8x128xf32, #tpu.memory_space<vmem>>, vector<1x16xf32>,
      %get3A_219 = vector.shape_cast %get3A_218 : vector<1x16xf32> to vector<16xf32>
      %mul3A_220 = arith.mulf %gather3A_191, %get3A_219 : vector<16xf32>
      %add3A_221 = arith.addf %scan3A_177, %mul3A_220 : vector<16xf32>
      %get3A_222 = arith.index_cast %scan3A_172 : i32 to index
      %get3A_223 = arith.constant 80 : index
      %get3A_224 = tpu.vector_load %arg12[%get3A_222, %get3A_223] {strides = array<i32>} : memref<8x128xf32, #tpu.memory_space<vmem>>, vector<1x16xf32>,
      %get3A_225 = vector.shape_cast %get3A_224 : vector<1x16xf32> to vector<16xf32>
      %mul3A_226 = arith.mulf %gather3A_191, %get3A_225 : vector<16xf32>
      %add3A_227 = arith.addf %scan3A_178, %mul3A_226 : vector<16xf32>
      %get3A_228 = arith.index_cast %scan3A_172 : i32 to index
      %get3A_229 = arith.constant 96 : index
      %get3A_230 = tpu.vector_load %arg12[%get3A_228, %get3A_229] {strides = array<i32>} : memref<8x128xf32, #tpu.memory_space<vmem>>, vector<1x16xf32>,
      %get3A_231 = vector.shape_cast %get3A_230 : vector<1x16xf32> to vector<16xf32>
      %mul3A_232 = arith.mulf %gather3A_191, %get3A_231 : vector<16xf32>
      %add3A_233 = arith.addf %scan3A_179, %mul3A_232 : vector<16xf32>
      %get3A_234 = arith.index_cast %scan3A_172 : i32 to index
      %get3A_235 = arith.constant 112 : index
      %get3A_236 = tpu.vector_load %arg12[%get3A_234, %get3A_235] {strides = array<i32>} : memref<8x128xf32, #tpu.memory_space<vmem>>, vector<1x16xf32>,
      %get3A_237 = vector.shape_cast %get3A_236 : vector<1x16xf32> to vector<16xf32>
      %mul3A_238 = arith.mulf %gather3A_191, %get3A_237 : vector<16xf32>
      %add3A_239 = arith.addf %scan3A_180, %mul3A_238 : vector<16xf32>
      scf.yield %add3A_197, %add3A_203, %add3A_209, %add3A_215, %add3A_221, %add3A_227, %add3A_233, %add3A_239 : vector<16xf32>, vector<16xf32>, vector<16xf32>, vector<16xf32>, vector<16xf32>, vector<16xf32>, vector<16xf32>, vector<16xf32>
    }
    %scan3A_116 = arith.constant 8 : i32
    %swap3A = arith.constant 1 : i32
    %swap3A_117 = arith.index_cast %swap3A : i32 to index
    %swap3A_118 = arith.constant 0 : index
    %swap3A_119 = tpu.vector_load %arg11[%swap3A_117, %swap3A_118] {strides = array<i32>} : memref<30x128xf32, #tpu.memory_space<vmem>>, vector<1x16xf32>,
    %swap3A_120 = vector.shape_cast %swap3A_119 : vector<1x16xf32> to vector<16xf32>
    %swap3A_121 = vector.shape_cast %scan3A_115#0 : vector<16xf32> to vector<1x16xf32>
    tpu.vector_store %arg11[%swap3A_117, %swap3A_118], %swap3A_121 {strides = array<i32>} : memref<30x128xf32, #tpu.memory_space<vmem>>, vector<1x16xf32>,
    %swap3A_122 = arith.constant 1 : i32
    %swap3A_123 = arith.index_cast %swap3A_122 : i32 to index
    %swap3A_124 = arith.constant 16 : index
    %swap3A_125 = tpu.vector_load %arg11[%swap3A_123, %swap3A_124] {strides = array<i32>} : memref<30x128xf32, #tpu.memory_space<vmem>>, vector<1x16xf32>,
    %swap3A_126 = vector.shape_cast %swap3A_125 : vector<1x16xf32> to vector<16xf32>
    %swap3A_127 = vector.shape_cast %scan3A_115#1 : vector<16xf32> to vector<1x16xf32>
    tpu.vector_store %arg11[%swap3A_123, %swap3A_124], %swap3A_127 {strides = array<i32>} : memref<30x128xf32, #tpu.memory_space<vmem>>, vector<1x16xf32>,
    %swap3A_128 = arith.constant 1 : i32
    %swap3A_129 = arith.index_cast %swap3A_128 : i32 to index
    %swap3A_130 = arith.constant 32 : index
    %swap3A_131 = tpu.vector_load %arg11[%swap3A_129, %swap3A_130] {strides = array<i32>} : memref<30x128xf32, #tpu.memory_space<vmem>>, vector<1x16xf32>,
    %swap3A_132 = vector.shape_cast %swap3A_131 : vector<1x16xf32> to vector<16xf32>
    %swap3A_133 = vector.shape_cast %scan3A_115#2 : vector<16xf32> to vector<1x16xf32>
    tpu.vector_store %arg11[%swap3A_129, %swap3A_130], %swap3A_133 {strides = array<i32>} : memref<30x128xf32, #tpu.memory_space<vmem>>, vector<1x16xf32>,
    %swap3A_134 = arith.constant 1 : i32
    %swap3A_135 = arith.index_cast %swap3A_134 : i32 to index
    %swap3A_136 = arith.constant 48 : index
    %swap3A_137 = tpu.vector_load %arg11[%swap3A_135, %swap3A_136] {strides = array<i32>} : memref<30x128xf32, #tpu.memory_space<vmem>>, vector<1x16xf32>,
    %swap3A_138 = vector.shape_cast %swap3A_137 : vector<1x16xf32> to vector<16xf32>
    %swap3A_139 = vector.shape_cast %scan3A_115#3 : vector<16xf32> to vector<1x16xf32>
    tpu.vector_store %arg11[%swap3A_135, %swap3A_136], %swap3A_139 {strides = array<i32>} : memref<30x128xf32, #tpu.memory_space<vmem>>, vector<1x16xf32>,
    %swap3A_140 = arith.constant 1 : i32
    %swap3A_141 = arith.index_cast %swap3A_140 : i32 to index
    %swap3A_142 = arith.constant 64 : index
    %swap3A_143 = tpu.vector_load %arg11[%swap3A_141, %swap3A_142] {strides = array<i32>} : memref<30x128xf32, #tpu.memory_space<vmem>>, vector<1x16xf32>,
    %swap3A_144 = vector.shape_cast %swap3A_143 : vector<1x16xf32> to vector<16xf32>
    %swap3A_145 = vector.shape_cast %scan3A_115#4 : vector<16xf32> to vector<1x16xf32>
    tpu.vector_store %arg11[%swap3A_141, %swap3A_142], %swap3A_145 {strides = array<i32>} : memref<30x128xf32, #tpu.memory_space<vmem>>, vector<1x16xf32>,
    %swap3A_146 = arith.constant 1 : i32
    %swap3A_147 = arith.index_cast %swap3A_146 : i32 to index
    %swap3A_148 = arith.constant 80 : index
    %swap3A_149 = tpu.vector_load %arg11[%swap3A_147, %swap3A_148] {strides = array<i32>} : memref<30x128xf32, #tpu.memory_space<vmem>>, vector<1x16xf32>,
    %swap3A_150 = vector.shape_cast %swap3A_149 : vector<1x16xf32> to vector<16xf32>
    %swap3A_151 = vector.shape_cast %scan3A_115#5 : vector<16xf32> to vector<1x16xf32>
    tpu.vector_store %arg11[%swap3A_147, %swap3A_148], %swap3A_151 {strides = array<i32>} : memref<30x128xf32, #tpu.memory_space<vmem>>, vector<1x16xf32>,
    %swap3A_152 = arith.constant 1 : i32
    %swap3A_153 = arith.index_cast %swap3A_152 : i32 to index
    %swap3A_154 = arith.constant 96 : index
    %swap3A_155 = tpu.vector_load %arg11[%swap3A_153, %swap3A_154] {strides = array<i32>} : memref<30x128xf32, #tpu.memory_space<vmem>>, vector<1x16xf32>,
    %swap3A_156 = vector.shape_cast %swap3A_155 : vector<1x16xf32> to vector<16xf32>
    %swap3A_157 = vector.shape_cast %scan3A_115#6 : vector<16xf32> to vector<1x16xf32>
    tpu.vector_store %arg11[%swap3A_153, %swap3A_154], %swap3A_157 {strides = array<i32>} : memref<30x128xf32, #tpu.memory_space<vmem>>, vector<1x16xf32>,
    %swap3A_158 = arith.constant 1 : i32
    %swap3A_159 = arith.index_cast %swap3A_158 : i32 to index
    %swap3A_160 = arith.constant 112 : index
    %swap3A_161 = tpu.vector_load %arg11[%swap3A_159, %swap3A_160] {strides = array<i32>} : memref<30x128xf32, #tpu.memory_space<vmem>>, vector<1x16xf32>,
    %swap3A_162 = vector.shape_cast %swap3A_161 : vector<1x16xf32> to vector<16xf32>
    %swap3A_163 = vector.shape_cast %scan3A_115#7 : vector<16xf32> to vector<1x16xf32>
    tpu.vector_store %arg11[%swap3A_159, %swap3A_160], %swap3A_163 {strides = array<i32>} : memref<30x128xf32, #tpu.memory_space<vmem>>, vector<1x16xf32>,
    %add3A_164 = arith.constant 14 : i32
    %add3A_165 = arith.addi %add3A_164, %arg1 : i32
    "tpu.region"() ({
      %run_scoped3A = tpu.sem_alloc : memref<!tpu.dma_semaphore, #tpu.memory_space<semaphore_mem>>
      %dma_start3A_172 = arith.constant 1 : i32
      %dma_start3A_173 = arith.constant 0 : i32
      %dma_start3A_174 = tpu.memref_slice %arg11[%dma_start3A_172, %dma_start3A_173] : memref<30x128xf32, #tpu.memory_space<vmem>> -> memref<1x128xf32, #tpu.memory_space<vmem>>
      %dma_start3A_175 = arith.constant 0 : i32
      %dma_start3A_176 = tpu.memref_slice %arg15[%add3A_165, %dma_start3A_175] : memref<30x128xf32, #tpu.memory_space<vmem_shared>> -> memref<1x128xf32, #tpu.memory_space<vmem_shared>>
      %dma_start3A_177 = arith.constant 0 : i32
      %dma_start3A_178 = tpu.memref_slice %arg15[%add3A_165, %dma_start3A_177] : memref<30x128xf32, #tpu.memory_space<vmem_shared>> -> memref<1x128xf32, #tpu.memory_space<vmem_shared>>
      %dma_start3A_179 = arith.constant 1 : i32
      %dma_start3A_180 = arith.constant 0 : i32
      %dma_start3A_181 = tpu.memref_slice %arg11[%dma_start3A_179, %dma_start3A_180] : memref<30x128xf32, #tpu.memory_space<vmem>> -> memref<1x128xf32, #tpu.memory_space<vmem>>
      tpu.enqueue_dma source(%dma_start3A_181 : memref<1x128xf32, #tpu.memory_space<vmem>>) target(%dma_start3A_178 : memref<1x128xf32, #tpu.memory_space<vmem_shared>>) target_semaphore(%run_scoped3A : memref<!tpu.dma_semaphore, #tpu.memory_space<semaphore_mem>>)
      %dma_wait3A_182 = arith.constant 1 : i32
      %dma_wait3A_183 = arith.constant 0 : i32
      %dma_wait3A_184 = tpu.memref_slice %arg11[%dma_wait3A_182, %dma_wait3A_183] : memref<30x128xf32, #tpu.memory_space<vmem>> -> memref<1x128xf32, #tpu.memory_space<vmem>>
      %dma_wait3A_185 = arith.constant 0 : i32
      %dma_wait3A_186 = tpu.memref_slice %arg15[%add3A_165, %dma_wait3A_185] : memref<30x128xf32, #tpu.memory_space<vmem_shared>> -> memref<1x128xf32, #tpu.memory_space<vmem_shared>>
      %dma_wait3A_187 = arith.constant 0 : i32
      %dma_wait3A_188 = tpu.memref_slice %arg15[%add3A_165, %dma_wait3A_187] : memref<30x128xf32, #tpu.memory_space<vmem_shared>> -> memref<1x128xf32, #tpu.memory_space<vmem_shared>>
      %dma_wait3A_189 = arith.constant 1 : i32
      %dma_wait3A_190 = arith.constant 0 : i32
      %dma_wait3A_191 = tpu.memref_slice %arg11[%dma_wait3A_189, %dma_wait3A_190] : memref<30x128xf32, #tpu.memory_space<vmem>> -> memref<1x128xf32, #tpu.memory_space<vmem>>
      tpu.wait_dma2 semaphore(%run_scoped3A : memref<!tpu.dma_semaphore, #tpu.memory_space<semaphore_mem>>) src(%dma_wait3A_191 : memref<1x128xf32, #tpu.memory_space<vmem>>) dst(%dma_wait3A_188 : memref<1x128xf32, #tpu.memory_space<vmem_shared>>)
      tpu.yield
    }) : () -> ()
    %barrier3A_166 = arith.constant 0 : index
    tpu.barrier barrier_id(%barrier3A_166)
    %eq3A_167 = arith.constant 0 : i32
    %eq3A_168 = arith.cmpi eq, %arg1, %eq3A_167 : i32
    %convert_element_type3A_169 = arith.extui %eq3A_168 : i1 to i32
    %cond3A_170 = arith.constant 0 : i32
    %cond3A_171 = arith.cmpi ne, %convert_element_type3A_169, %cond3A_170 : i32
    scf.if %cond3A_171 {
      "tpu.region"() ({
        %run_scoped3A = tpu.sem_alloc : memref<!tpu.dma_semaphore, #tpu.memory_space<semaphore_mem>>
        tpu.enqueue_dma source(%arg15 : memref<30x128xf32, #tpu.memory_space<vmem_shared>>) target(%arg11 : memref<30x128xf32, #tpu.memory_space<vmem>>) target_semaphore(%run_scoped3A : memref<!tpu.dma_semaphore, #tpu.memory_space<semaphore_mem>>)
        tpu.wait_dma2 semaphore(%run_scoped3A : memref<!tpu.dma_semaphore, #tpu.memory_space<semaphore_mem>>) src(%arg15 : memref<30x128xf32, #tpu.memory_space<vmem_shared>>) dst(%arg11 : memref<30x128xf32, #tpu.memory_space<vmem>>)
        tpu.yield
      }) : () -> ()
      %get3A_172 = arith.constant 0 : i32
      %get3A_173 = arith.index_cast %get3A_172 : i32 to index
      %get3A_174 = arith.constant 0 : index
      %get3A_175 = tpu.vector_load %arg11[%get3A_173, %get3A_174] {strides = array<i32>} : memref<30x128xf32, #tpu.memory_space<vmem>>, vector<1x16xf32>,
      %get3A_176 = vector.shape_cast %get3A_175 : vector<1x16xf32> to vector<16xf32>
      %get3A_177 = arith.constant 0 : i32
      %get3A_178 = arith.index_cast %get3A_177 : i32 to index
      %get3A_179 = arith.constant 16 : index
      %get3A_180 = tpu.vector_load %arg11[%get3A_178, %get3A_179] {strides = array<i32>} : memref<30x128xf32, #tpu.memory_space<vmem>>, vector<1x16xf32>,
      %get3A_181 = vector.shape_cast %get3A_180 : vector<1x16xf32> to vector<16xf32>
      %get3A_182 = arith.constant 0 : i32
      %get3A_183 = arith.index_cast %get3A_182 : i32 to index
      %get3A_184 = arith.constant 32 : index
      %get3A_185 = tpu.vector_load %arg11[%get3A_183, %get3A_184] {strides = array<i32>} : memref<30x128xf32, #tpu.memory_space<vmem>>, vector<1x16xf32>,
      %get3A_186 = vector.shape_cast %get3A_185 : vector<1x16xf32> to vector<16xf32>
      %get3A_187 = arith.constant 0 : i32
      %get3A_188 = arith.index_cast %get3A_187 : i32 to index
      %get3A_189 = arith.constant 48 : index
      %get3A_190 = tpu.vector_load %arg11[%get3A_188, %get3A_189] {strides = array<i32>} : memref<30x128xf32, #tpu.memory_space<vmem>>, vector<1x16xf32>,
      %get3A_191 = vector.shape_cast %get3A_190 : vector<1x16xf32> to vector<16xf32>
      %get3A_192 = arith.constant 0 : i32
      %get3A_193 = arith.index_cast %get3A_192 : i32 to index
      %get3A_194 = arith.constant 64 : index
      %get3A_195 = tpu.vector_load %arg11[%get3A_193, %get3A_194] {strides = array<i32>} : memref<30x128xf32, #tpu.memory_space<vmem>>, vector<1x16xf32>,
      %get3A_196 = vector.shape_cast %get3A_195 : vector<1x16xf32> to vector<16xf32>
      %get3A_197 = arith.constant 0 : i32
      %get3A_198 = arith.index_cast %get3A_197 : i32 to index
      %get3A_199 = arith.constant 80 : index
      %get3A_200 = tpu.vector_load %arg11[%get3A_198, %get3A_199] {strides = array<i32>} : memref<30x128xf32, #tpu.memory_space<vmem>>, vector<1x16xf32>,
      %get3A_201 = vector.shape_cast %get3A_200 : vector<1x16xf32> to vector<16xf32>
      %get3A_202 = arith.constant 0 : i32
      %get3A_203 = arith.index_cast %get3A_202 : i32 to index
      %get3A_204 = arith.constant 96 : index
      %get3A_205 = tpu.vector_load %arg11[%get3A_203, %get3A_204] {strides = array<i32>} : memref<30x128xf32, #tpu.memory_space<vmem>>, vector<1x16xf32>,
      %get3A_206 = vector.shape_cast %get3A_205 : vector<1x16xf32> to vector<16xf32>
      %get3A_207 = arith.constant 0 : i32
      %get3A_208 = arith.index_cast %get3A_207 : i32 to index
      %get3A_209 = arith.constant 112 : index
      %get3A_210 = tpu.vector_load %arg11[%get3A_208, %get3A_209] {strides = array<i32>} : memref<30x128xf32, #tpu.memory_space<vmem>>, vector<1x16xf32>,
      %get3A_211 = vector.shape_cast %get3A_210 : vector<1x16xf32> to vector<16xf32>
      %scan3A_212 = arith.constant 1 : i32
      %scan3A_213 = arith.constant 12 : i32
      %scan3A_214 = arith.addi %scan3A_212, %scan3A_213 : i32
      %scan3A_215 = arith.constant 1 : i32
      %scan3A_216:8 = scf.for %scan3A_465 = %scan3A_212 to %scan3A_214 step %scan3A_215 iter_args(%scan3A_466 = %get3A_176, %scan3A_467 = %get3A_181, %scan3A_468 = %get3A_186, %scan3A_469 = %get3A_191, %scan3A_470 = %get3A_196, %scan3A_471 = %get3A_201, %scan3A_472 = %get3A_206, %scan3A_473 = %get3A_211) -> (vector<16xf32>, vector<16xf32>, vector<16xf32>, vector<16xf32>, vector<16xf32>, vector<16xf32>, vector<16xf32>, vector<16xf32>)  : i32 {
        %get3A_474 = arith.index_cast %scan3A_465 : i32 to index
        %get3A_475 = arith.constant 0 : index
        %get3A_476 = tpu.vector_load %arg11[%get3A_474, %get3A_475] {strides = array<i32>} : memref<30x128xf32, #tpu.memory_space<vmem>>, vector<1x16xf32>,
        %get3A_477 = vector.shape_cast %get3A_476 : vector<1x16xf32> to vector<16xf32>
        %add3A_478 = arith.addf %scan3A_466, %get3A_477 : vector<16xf32>
        %get3A_479 = arith.index_cast %scan3A_465 : i32 to index
        %get3A_480 = arith.constant 16 : index
        %get3A_481 = tpu.vector_load %arg11[%get3A_479, %get3A_480] {strides = array<i32>} : memref<30x128xf32, #tpu.memory_space<vmem>>, vector<1x16xf32>,
        %get3A_482 = vector.shape_cast %get3A_481 : vector<1x16xf32> to vector<16xf32>
        %add3A_483 = arith.addf %scan3A_467, %get3A_482 : vector<16xf32>
        %get3A_484 = arith.index_cast %scan3A_465 : i32 to index
        %get3A_485 = arith.constant 32 : index
        %get3A_486 = tpu.vector_load %arg11[%get3A_484, %get3A_485] {strides = array<i32>} : memref<30x128xf32, #tpu.memory_space<vmem>>, vector<1x16xf32>,
        %get3A_487 = vector.shape_cast %get3A_486 : vector<1x16xf32> to vector<16xf32>
        %add3A_488 = arith.addf %scan3A_468, %get3A_487 : vector<16xf32>
        %get3A_489 = arith.index_cast %scan3A_465 : i32 to index
        %get3A_490 = arith.constant 48 : index
        %get3A_491 = tpu.vector_load %arg11[%get3A_489, %get3A_490] {strides = array<i32>} : memref<30x128xf32, #tpu.memory_space<vmem>>, vector<1x16xf32>,
        %get3A_492 = vector.shape_cast %get3A_491 : vector<1x16xf32> to vector<16xf32>
        %add3A_493 = arith.addf %scan3A_469, %get3A_492 : vector<16xf32>
        %get3A_494 = arith.index_cast %scan3A_465 : i32 to index
        %get3A_495 = arith.constant 64 : index
        %get3A_496 = tpu.vector_load %arg11[%get3A_494, %get3A_495] {strides = array<i32>} : memref<30x128xf32, #tpu.memory_space<vmem>>, vector<1x16xf32>,
        %get3A_497 = vector.shape_cast %get3A_496 : vector<1x16xf32> to vector<16xf32>
        %add3A_498 = arith.addf %scan3A_470, %get3A_497 : vector<16xf32>
        %get3A_499 = arith.index_cast %scan3A_465 : i32 to index
        %get3A_500 = arith.constant 80 : index
        %get3A_501 = tpu.vector_load %arg11[%get3A_499, %get3A_500] {strides = array<i32>} : memref<30x128xf32, #tpu.memory_space<vmem>>, vector<1x16xf32>,
        %get3A_502 = vector.shape_cast %get3A_501 : vector<1x16xf32> to vector<16xf32>
        %add3A_503 = arith.addf %scan3A_471, %get3A_502 : vector<16xf32>
        %get3A_504 = arith.index_cast %scan3A_465 : i32 to index
        %get3A_505 = arith.constant 96 : index
        %get3A_506 = tpu.vector_load %arg11[%get3A_504, %get3A_505] {strides = array<i32>} : memref<30x128xf32, #tpu.memory_space<vmem>>, vector<1x16xf32>,
        %get3A_507 = vector.shape_cast %get3A_506 : vector<1x16xf32> to vector<16xf32>
        %add3A_508 = arith.addf %scan3A_472, %get3A_507 : vector<16xf32>
        %get3A_509 = arith.index_cast %scan3A_465 : i32 to index
        %get3A_510 = arith.constant 112 : index
        %get3A_511 = tpu.vector_load %arg11[%get3A_509, %get3A_510] {strides = array<i32>} : memref<30x128xf32, #tpu.memory_space<vmem>>, vector<1x16xf32>,
        %get3A_512 = vector.shape_cast %get3A_511 : vector<1x16xf32> to vector<16xf32>
        %add3A_513 = arith.addf %scan3A_473, %get3A_512 : vector<16xf32>
        scf.yield %add3A_478, %add3A_483, %add3A_488, %add3A_493, %add3A_498, %add3A_503, %add3A_508, %add3A_513 : vector<16xf32>, vector<16xf32>, vector<16xf32>, vector<16xf32>, vector<16xf32>, vector<16xf32>, vector<16xf32>, vector<16xf32>
      }
      %scan3A_217 = arith.constant 12 : i32
      %get3A_218 = arith.constant 14 : i32
      %get3A_219 = arith.index_cast %get3A_218 : i32 to index
      %get3A_220 = arith.constant 0 : index
      %get3A_221 = tpu.vector_load %arg11[%get3A_219, %get3A_220] {strides = array<i32>} : memref<30x128xf32, #tpu.memory_space<vmem>>, vector<1x16xf32>,
      %get3A_222 = vector.shape_cast %get3A_221 : vector<1x16xf32> to vector<16xf32>
      %get3A_223 = arith.constant 14 : i32
      %get3A_224 = arith.index_cast %get3A_223 : i32 to index
      %get3A_225 = arith.constant 16 : index
      %get3A_226 = tpu.vector_load %arg11[%get3A_224, %get3A_225] {strides = array<i32>} : memref<30x128xf32, #tpu.memory_space<vmem>>, vector<1x16xf32>,
      %get3A_227 = vector.shape_cast %get3A_226 : vector<1x16xf32> to vector<16xf32>
      %get3A_228 = arith.constant 14 : i32
      %get3A_229 = arith.index_cast %get3A_228 : i32 to index
      %get3A_230 = arith.constant 32 : index
      %get3A_231 = tpu.vector_load %arg11[%get3A_229, %get3A_230] {strides = array<i32>} : memref<30x128xf32, #tpu.memory_space<vmem>>, vector<1x16xf32>,
      %get3A_232 = vector.shape_cast %get3A_231 : vector<1x16xf32> to vector<16xf32>
      %get3A_233 = arith.constant 14 : i32
      %get3A_234 = arith.index_cast %get3A_233 : i32 to index
      %get3A_235 = arith.constant 48 : index
      %get3A_236 = tpu.vector_load %arg11[%get3A_234, %get3A_235] {strides = array<i32>} : memref<30x128xf32, #tpu.memory_space<vmem>>, vector<1x16xf32>,
      %get3A_237 = vector.shape_cast %get3A_236 : vector<1x16xf32> to vector<16xf32>
      %get3A_238 = arith.constant 14 : i32
      %get3A_239 = arith.index_cast %get3A_238 : i32 to index
      %get3A_240 = arith.constant 64 : index
      %get3A_241 = tpu.vector_load %arg11[%get3A_239, %get3A_240] {strides = array<i32>} : memref<30x128xf32, #tpu.memory_space<vmem>>, vector<1x16xf32>,
      %get3A_242 = vector.shape_cast %get3A_241 : vector<1x16xf32> to vector<16xf32>
      %get3A_243 = arith.constant 14 : i32
      %get3A_244 = arith.index_cast %get3A_243 : i32 to index
      %get3A_245 = arith.constant 80 : index
      %get3A_246 = tpu.vector_load %arg11[%get3A_244, %get3A_245] {strides = array<i32>} : memref<30x128xf32, #tpu.memory_space<vmem>>, vector<1x16xf32>,
      %get3A_247 = vector.shape_cast %get3A_246 : vector<1x16xf32> to vector<16xf32>
      %get3A_248 = arith.constant 14 : i32
      %get3A_249 = arith.index_cast %get3A_248 : i32 to index
      %get3A_250 = arith.constant 96 : index
      %get3A_251 = tpu.vector_load %arg11[%get3A_249, %get3A_250] {strides = array<i32>} : memref<30x128xf32, #tpu.memory_space<vmem>>, vector<1x16xf32>,
      %get3A_252 = vector.shape_cast %get3A_251 : vector<1x16xf32> to vector<16xf32>
      %get3A_253 = arith.constant 14 : i32
      %get3A_254 = arith.index_cast %get3A_253 : i32 to index
      %get3A_255 = arith.constant 112 : index
      %get3A_256 = tpu.vector_load %arg11[%get3A_254, %get3A_255] {strides = array<i32>} : memref<30x128xf32, #tpu.memory_space<vmem>>, vector<1x16xf32>,
      %get3A_257 = vector.shape_cast %get3A_256 : vector<1x16xf32> to vector<16xf32>
      %scan3A_258 = arith.constant 15 : i32
      %scan3A_259 = arith.constant 15 : i32
      %scan3A_260 = arith.addi %scan3A_258, %scan3A_259 : i32
      %scan3A_261 = arith.constant 1 : i32
      %scan3A_262:8 = scf.for %scan3A_465 = %scan3A_258 to %scan3A_260 step %scan3A_261 iter_args(%scan3A_466 = %get3A_222, %scan3A_467 = %get3A_227, %scan3A_468 = %get3A_232, %scan3A_469 = %get3A_237, %scan3A_470 = %get3A_242, %scan3A_471 = %get3A_247, %scan3A_472 = %get3A_252, %scan3A_473 = %get3A_257) -> (vector<16xf32>, vector<16xf32>, vector<16xf32>, vector<16xf32>, vector<16xf32>, vector<16xf32>, vector<16xf32>, vector<16xf32>)  : i32 {
        %get3A_474 = arith.index_cast %scan3A_465 : i32 to index
        %get3A_475 = arith.constant 0 : index
        %get3A_476 = tpu.vector_load %arg11[%get3A_474, %get3A_475] {strides = array<i32>} : memref<30x128xf32, #tpu.memory_space<vmem>>, vector<1x16xf32>,
        %get3A_477 = vector.shape_cast %get3A_476 : vector<1x16xf32> to vector<16xf32>
        %add3A_478 = arith.addf %scan3A_466, %get3A_477 : vector<16xf32>
        %get3A_479 = arith.index_cast %scan3A_465 : i32 to index
        %get3A_480 = arith.constant 16 : index
        %get3A_481 = tpu.vector_load %arg11[%get3A_479, %get3A_480] {strides = array<i32>} : memref<30x128xf32, #tpu.memory_space<vmem>>, vector<1x16xf32>,
        %get3A_482 = vector.shape_cast %get3A_481 : vector<1x16xf32> to vector<16xf32>
        %add3A_483 = arith.addf %scan3A_467, %get3A_482 : vector<16xf32>
        %get3A_484 = arith.index_cast %scan3A_465 : i32 to index
        %get3A_485 = arith.constant 32 : index
        %get3A_486 = tpu.vector_load %arg11[%get3A_484, %get3A_485] {strides = array<i32>} : memref<30x128xf32, #tpu.memory_space<vmem>>, vector<1x16xf32>,
        %get3A_487 = vector.shape_cast %get3A_486 : vector<1x16xf32> to vector<16xf32>
        %add3A_488 = arith.addf %scan3A_468, %get3A_487 : vector<16xf32>
        %get3A_489 = arith.index_cast %scan3A_465 : i32 to index
        %get3A_490 = arith.constant 48 : index
        %get3A_491 = tpu.vector_load %arg11[%get3A_489, %get3A_490] {strides = array<i32>} : memref<30x128xf32, #tpu.memory_space<vmem>>, vector<1x16xf32>,
        %get3A_492 = vector.shape_cast %get3A_491 : vector<1x16xf32> to vector<16xf32>
        %add3A_493 = arith.addf %scan3A_469, %get3A_492 : vector<16xf32>
        %get3A_494 = arith.index_cast %scan3A_465 : i32 to index
        %get3A_495 = arith.constant 64 : index
        %get3A_496 = tpu.vector_load %arg11[%get3A_494, %get3A_495] {strides = array<i32>} : memref<30x128xf32, #tpu.memory_space<vmem>>, vector<1x16xf32>,
        %get3A_497 = vector.shape_cast %get3A_496 : vector<1x16xf32> to vector<16xf32>
        %add3A_498 = arith.addf %scan3A_470, %get3A_497 : vector<16xf32>
        %get3A_499 = arith.index_cast %scan3A_465 : i32 to index
        %get3A_500 = arith.constant 80 : index
        %get3A_501 = tpu.vector_load %arg11[%get3A_499, %get3A_500] {strides = array<i32>} : memref<30x128xf32, #tpu.memory_space<vmem>>, vector<1x16xf32>,
        %get3A_502 = vector.shape_cast %get3A_501 : vector<1x16xf32> to vector<16xf32>
        %add3A_503 = arith.addf %scan3A_471, %get3A_502 : vector<16xf32>
        %get3A_504 = arith.index_cast %scan3A_465 : i32 to index
        %get3A_505 = arith.constant 96 : index
        %get3A_506 = tpu.vector_load %arg11[%get3A_504, %get3A_505] {strides = array<i32>} : memref<30x128xf32, #tpu.memory_space<vmem>>, vector<1x16xf32>,
        %get3A_507 = vector.shape_cast %get3A_506 : vector<1x16xf32> to vector<16xf32>
        %add3A_508 = arith.addf %scan3A_472, %get3A_507 : vector<16xf32>
        %get3A_509 = arith.index_cast %scan3A_465 : i32 to index
        %get3A_510 = arith.constant 112 : index
        %get3A_511 = tpu.vector_load %arg11[%get3A_509, %get3A_510] {strides = array<i32>} : memref<30x128xf32, #tpu.memory_space<vmem>>, vector<1x16xf32>,
        %get3A_512 = vector.shape_cast %get3A_511 : vector<1x16xf32> to vector<16xf32>
        %add3A_513 = arith.addf %scan3A_473, %get3A_512 : vector<16xf32>
        scf.yield %add3A_478, %add3A_483, %add3A_488, %add3A_493, %add3A_498, %add3A_503, %add3A_508, %add3A_513 : vector<16xf32>, vector<16xf32>, vector<16xf32>, vector<16xf32>, vector<16xf32>, vector<16xf32>, vector<16xf32>, vector<16xf32>
      }
      %scan3A_263 = arith.constant 15 : i32
      tpu.wait_dma2 semaphore(%arg18 : memref<!tpu.dma_semaphore, #tpu.memory_space<semaphore_mem>>) src(%arg7 : memref<128xf32, #tpu.memory_space<hbm>>) dst(%arg13 : memref<128xf32, #tpu.memory_space<vmem>>)
      %broadcast_in_dim3A_264 = arith.constant 0.000000e+00 : f32
      %broadcast_in_dim3A_265 = vector.broadcast %broadcast_in_dim3A_264 : f32 to vector<16xf32>
      %get3A_266 = arith.constant 13 : i32
      %get3A_267 = arith.index_cast %get3A_266 : i32 to index
      %get3A_268 = arith.constant 0 : index
      %get3A_269 = tpu.vector_load %arg11[%get3A_267, %get3A_268] {strides = array<i32>} : memref<30x128xf32, #tpu.memory_space<vmem>>, vector<1x16xf32>,
      %get3A_270 = vector.shape_cast %get3A_269 : vector<1x16xf32> to vector<16xf32>
      %mul3A_271 = arith.constant 5.000000e-03 : f32
      %mul3A_272 = vector.broadcast %mul3A_271 : f32 to vector<16xf32>
      %mul3A_273 = arith.mulf %scan3A_216#0, %mul3A_272 : vector<16xf32>
      %mul3A_274 = arith.mulf %mul3A_273, %scan3A_262#0 : vector<16xf32>
      %add3A_275 = arith.addf %broadcast_in_dim3A_265, %mul3A_274 : vector<16xf32>
      %get3A_276 = arith.constant 0 : index
      %get3A_277 = tpu.vector_load %arg13[%get3A_276] {strides = array<i32>} : memref<128xf32, #tpu.memory_space<vmem>>, vector<16xf32>,
      %get3A_278 = vector.shape_cast %get3A_277 : vector<16xf32> to vector<16xf32>
      %mul3A_279 = arith.mulf %get3A_278, %get3A_270 : vector<16xf32>
      %add3A_280 = arith.addf %add3A_275, %mul3A_279 : vector<16xf32>
      %get3A_281 = arith.constant 13 : i32
      %get3A_282 = arith.index_cast %get3A_281 : i32 to index
      %get3A_283 = arith.constant 16 : index
      %get3A_284 = tpu.vector_load %arg11[%get3A_282, %get3A_283] {strides = array<i32>} : memref<30x128xf32, #tpu.memory_space<vmem>>, vector<1x16xf32>,
      %get3A_285 = vector.shape_cast %get3A_284 : vector<1x16xf32> to vector<16xf32>
      %mul3A_286 = arith.constant 5.000000e-03 : f32
      %mul3A_287 = vector.broadcast %mul3A_286 : f32 to vector<16xf32>
      %mul3A_288 = arith.mulf %scan3A_216#1, %mul3A_287 : vector<16xf32>
      %mul3A_289 = arith.mulf %mul3A_288, %scan3A_262#1 : vector<16xf32>
      %add3A_290 = arith.addf %add3A_280, %mul3A_289 : vector<16xf32>
      %get3A_291 = arith.constant 16 : index
      %get3A_292 = tpu.vector_load %arg13[%get3A_291] {strides = array<i32>} : memref<128xf32, #tpu.memory_space<vmem>>, vector<16xf32>,
      %get3A_293 = vector.shape_cast %get3A_292 : vector<16xf32> to vector<16xf32>
      %mul3A_294 = arith.mulf %get3A_293, %get3A_285 : vector<16xf32>
      %add3A_295 = arith.addf %add3A_290, %mul3A_294 : vector<16xf32>
      %get3A_296 = arith.constant 13 : i32
      %get3A_297 = arith.index_cast %get3A_296 : i32 to index
      %get3A_298 = arith.constant 32 : index
      %get3A_299 = tpu.vector_load %arg11[%get3A_297, %get3A_298] {strides = array<i32>} : memref<30x128xf32, #tpu.memory_space<vmem>>, vector<1x16xf32>,
      %get3A_300 = vector.shape_cast %get3A_299 : vector<1x16xf32> to vector<16xf32>
      %mul3A_301 = arith.constant 5.000000e-03 : f32
      %mul3A_302 = vector.broadcast %mul3A_301 : f32 to vector<16xf32>
      %mul3A_303 = arith.mulf %scan3A_216#2, %mul3A_302 : vector<16xf32>
      %mul3A_304 = arith.mulf %mul3A_303, %scan3A_262#2 : vector<16xf32>
      %add3A_305 = arith.addf %add3A_295, %mul3A_304 : vector<16xf32>
      %get3A_306 = arith.constant 32 : index
      %get3A_307 = tpu.vector_load %arg13[%get3A_306] {strides = array<i32>} : memref<128xf32, #tpu.memory_space<vmem>>, vector<16xf32>,
      %get3A_308 = vector.shape_cast %get3A_307 : vector<16xf32> to vector<16xf32>
      %mul3A_309 = arith.mulf %get3A_308, %get3A_300 : vector<16xf32>
      %add3A_310 = arith.addf %add3A_305, %mul3A_309 : vector<16xf32>
      %get3A_311 = arith.constant 13 : i32
      %get3A_312 = arith.index_cast %get3A_311 : i32 to index
      %get3A_313 = arith.constant 48 : index
      %get3A_314 = tpu.vector_load %arg11[%get3A_312, %get3A_313] {strides = array<i32>} : memref<30x128xf32, #tpu.memory_space<vmem>>, vector<1x16xf32>,
      %get3A_315 = vector.shape_cast %get3A_314 : vector<1x16xf32> to vector<16xf32>
      %mul3A_316 = arith.constant 5.000000e-03 : f32
      %mul3A_317 = vector.broadcast %mul3A_316 : f32 to vector<16xf32>
      %mul3A_318 = arith.mulf %scan3A_216#3, %mul3A_317 : vector<16xf32>
      %mul3A_319 = arith.mulf %mul3A_318, %scan3A_262#3 : vector<16xf32>
      %add3A_320 = arith.addf %add3A_310, %mul3A_319 : vector<16xf32>
      %get3A_321 = arith.constant 48 : index
      %get3A_322 = tpu.vector_load %arg13[%get3A_321] {strides = array<i32>} : memref<128xf32, #tpu.memory_space<vmem>>, vector<16xf32>,
      %get3A_323 = vector.shape_cast %get3A_322 : vector<16xf32> to vector<16xf32>
      %mul3A_324 = arith.mulf %get3A_323, %get3A_315 : vector<16xf32>
      %add3A_325 = arith.addf %add3A_320, %mul3A_324 : vector<16xf32>
      %get3A_326 = arith.constant 13 : i32
      %get3A_327 = arith.index_cast %get3A_326 : i32 to index
      %get3A_328 = arith.constant 64 : index
      %get3A_329 = tpu.vector_load %arg11[%get3A_327, %get3A_328] {strides = array<i32>} : memref<30x128xf32, #tpu.memory_space<vmem>>, vector<1x16xf32>,
      %get3A_330 = vector.shape_cast %get3A_329 : vector<1x16xf32> to vector<16xf32>
      %mul3A_331 = arith.constant 5.000000e-03 : f32
      %mul3A_332 = vector.broadcast %mul3A_331 : f32 to vector<16xf32>
      %mul3A_333 = arith.mulf %scan3A_216#4, %mul3A_332 : vector<16xf32>
      %mul3A_334 = arith.mulf %mul3A_333, %scan3A_262#4 : vector<16xf32>
      %add3A_335 = arith.addf %add3A_325, %mul3A_334 : vector<16xf32>
      %get3A_336 = arith.constant 64 : index
      %get3A_337 = tpu.vector_load %arg13[%get3A_336] {strides = array<i32>} : memref<128xf32, #tpu.memory_space<vmem>>, vector<16xf32>,
      %get3A_338 = vector.shape_cast %get3A_337 : vector<16xf32> to vector<16xf32>
      %mul3A_339 = arith.mulf %get3A_338, %get3A_330 : vector<16xf32>
      %add3A_340 = arith.addf %add3A_335, %mul3A_339 : vector<16xf32>
      %get3A_341 = arith.constant 13 : i32
      %get3A_342 = arith.index_cast %get3A_341 : i32 to index
      %get3A_343 = arith.constant 80 : index
      %get3A_344 = tpu.vector_load %arg11[%get3A_342, %get3A_343] {strides = array<i32>} : memref<30x128xf32, #tpu.memory_space<vmem>>, vector<1x16xf32>,
      %get3A_345 = vector.shape_cast %get3A_344 : vector<1x16xf32> to vector<16xf32>
      %mul3A_346 = arith.constant 5.000000e-03 : f32
      %mul3A_347 = vector.broadcast %mul3A_346 : f32 to vector<16xf32>
      %mul3A_348 = arith.mulf %scan3A_216#5, %mul3A_347 : vector<16xf32>
      %mul3A_349 = arith.mulf %mul3A_348, %scan3A_262#5 : vector<16xf32>
      %add3A_350 = arith.addf %add3A_340, %mul3A_349 : vector<16xf32>
      %get3A_351 = arith.constant 80 : index
      %get3A_352 = tpu.vector_load %arg13[%get3A_351] {strides = array<i32>} : memref<128xf32, #tpu.memory_space<vmem>>, vector<16xf32>,
      %get3A_353 = vector.shape_cast %get3A_352 : vector<16xf32> to vector<16xf32>
      %mul3A_354 = arith.mulf %get3A_353, %get3A_345 : vector<16xf32>
      %add3A_355 = arith.addf %add3A_350, %mul3A_354 : vector<16xf32>
      %get3A_356 = arith.constant 13 : i32
      %get3A_357 = arith.index_cast %get3A_356 : i32 to index
      %get3A_358 = arith.constant 96 : index
      %get3A_359 = tpu.vector_load %arg11[%get3A_357, %get3A_358] {strides = array<i32>} : memref<30x128xf32, #tpu.memory_space<vmem>>, vector<1x16xf32>,
      %get3A_360 = vector.shape_cast %get3A_359 : vector<1x16xf32> to vector<16xf32>
      %mul3A_361 = arith.constant 5.000000e-03 : f32
      %mul3A_362 = vector.broadcast %mul3A_361 : f32 to vector<16xf32>
      %mul3A_363 = arith.mulf %scan3A_216#6, %mul3A_362 : vector<16xf32>
      %mul3A_364 = arith.mulf %mul3A_363, %scan3A_262#6 : vector<16xf32>
      %add3A_365 = arith.addf %add3A_355, %mul3A_364 : vector<16xf32>
      %get3A_366 = arith.constant 96 : index
      %get3A_367 = tpu.vector_load %arg13[%get3A_366] {strides = array<i32>} : memref<128xf32, #tpu.memory_space<vmem>>, vector<16xf32>,
      %get3A_368 = vector.shape_cast %get3A_367 : vector<16xf32> to vector<16xf32>
      %mul3A_369 = arith.mulf %get3A_368, %get3A_360 : vector<16xf32>
      %add3A_370 = arith.addf %add3A_365, %mul3A_369 : vector<16xf32>
      %get3A_371 = arith.constant 13 : i32
      %get3A_372 = arith.index_cast %get3A_371 : i32 to index
      %get3A_373 = arith.constant 112 : index
      %get3A_374 = tpu.vector_load %arg11[%get3A_372, %get3A_373] {strides = array<i32>} : memref<30x128xf32, #tpu.memory_space<vmem>>, vector<1x16xf32>,
      %get3A_375 = vector.shape_cast %get3A_374 : vector<1x16xf32> to vector<16xf32>
      %mul3A_376 = arith.constant 5.000000e-03 : f32
      %mul3A_377 = vector.broadcast %mul3A_376 : f32 to vector<16xf32>
      %mul3A_378 = arith.mulf %scan3A_216#7, %mul3A_377 : vector<16xf32>
      %mul3A_379 = arith.mulf %mul3A_378, %scan3A_262#7 : vector<16xf32>
      %add3A_380 = arith.addf %add3A_370, %mul3A_379 : vector<16xf32>
      %get3A_381 = arith.constant 112 : index
      %get3A_382 = tpu.vector_load %arg13[%get3A_381] {strides = array<i32>} : memref<128xf32, #tpu.memory_space<vmem>>, vector<16xf32>,
      %get3A_383 = vector.shape_cast %get3A_382 : vector<16xf32> to vector<16xf32>
      %mul3A_384 = arith.mulf %get3A_383, %get3A_375 : vector<16xf32>
      %add3A_385 = arith.addf %add3A_380, %mul3A_384 : vector<16xf32>
      %iota3A = tpu.iota {dimensions = array<i32: 0>} : vector<16xi32>
      %add3A_386 = arith.constant 1 : i32
      %add3A_387 = vector.broadcast %add3A_386 : i32 to vector<16xi32>
      %add3A_388 = arith.addi %iota3A, %add3A_387 : vector<16xi32>
      %and3A_389 = arith.constant 15 : i32
      %and3A_390 = vector.broadcast %and3A_389 : i32 to vector<16xi32>
      %and3A_391 = arith.andi %add3A_388, %and3A_390 : vector<16xi32>
      %lt3A_392 = arith.constant 0 : i32
      %lt3A_393 = vector.broadcast %lt3A_392 : i32 to vector<16xi32>
      %lt3A_394 = arith.cmpi slt, %and3A_391, %lt3A_393 : vector<16xi32>
      %add3A_395 = arith.constant 16 : i32
      %add3A_396 = vector.broadcast %add3A_395 : i32 to vector<16xi32>
      %add3A_397 = arith.addi %and3A_391, %add3A_396 : vector<16xi32>
      %select_n3A_398 = arith.select %lt3A_394, %add3A_397, %and3A_391 : vector<16xi1>, vector<16xi32>
      %broadcast_in_dim3A_399 = vector.shape_cast %select_n3A_398 : vector<16xi32> to vector<16x1xi32>
      %gather3A = vector.shape_cast %broadcast_in_dim3A_399 : vector<16x1xi32> to vector<16xi32>
      %gather3A_400 = tpu.dynamic_gather %add3A_385[%gather3A] in [0] : vector<16xf32>, vector<16xi32> -> vector<16xf32>
      %add3A_401 = arith.addf %add3A_385, %gather3A_400 : vector<16xf32>
      %add3A_402 = arith.constant 2 : i32
      %add3A_403 = vector.broadcast %add3A_402 : i32 to vector<16xi32>
      %add3A_404 = arith.addi %iota3A, %add3A_403 : vector<16xi32>
      %and3A_405 = arith.constant 15 : i32
      %and3A_406 = vector.broadcast %and3A_405 : i32 to vector<16xi32>
      %and3A_407 = arith.andi %add3A_404, %and3A_406 : vector<16xi32>
      %lt3A_408 = arith.constant 0 : i32
      %lt3A_409 = vector.broadcast %lt3A_408 : i32 to vector<16xi32>
      %lt3A_410 = arith.cmpi slt, %and3A_407, %lt3A_409 : vector<16xi32>
      %add3A_411 = arith.constant 16 : i32
      %add3A_412 = vector.broadcast %add3A_411 : i32 to vector<16xi32>
      %add3A_413 = arith.addi %and3A_407, %add3A_412 : vector<16xi32>
      %select_n3A_414 = arith.select %lt3A_410, %add3A_413, %and3A_407 : vector<16xi1>, vector<16xi32>
      %broadcast_in_dim3A_415 = vector.shape_cast %select_n3A_414 : vector<16xi32> to vector<16x1xi32>
      %gather3A_416 = vector.shape_cast %broadcast_in_dim3A_415 : vector<16x1xi32> to vector<16xi32>
      %gather3A_417 = tpu.dynamic_gather %add3A_401[%gather3A_416] in [0] : vector<16xf32>, vector<16xi32> -> vector<16xf32>
      %add3A_418 = arith.addf %add3A_401, %gather3A_417 : vector<16xf32>
      %add3A_419 = arith.constant 4 : i32
      %add3A_420 = vector.broadcast %add3A_419 : i32 to vector<16xi32>
      %add3A_421 = arith.addi %iota3A, %add3A_420 : vector<16xi32>
      %and3A_422 = arith.constant 15 : i32
      %and3A_423 = vector.broadcast %and3A_422 : i32 to vector<16xi32>
      %and3A_424 = arith.andi %add3A_421, %and3A_423 : vector<16xi32>
      %lt3A_425 = arith.constant 0 : i32
      %lt3A_426 = vector.broadcast %lt3A_425 : i32 to vector<16xi32>
      %lt3A_427 = arith.cmpi slt, %and3A_424, %lt3A_426 : vector<16xi32>
      %add3A_428 = arith.constant 16 : i32
      %add3A_429 = vector.broadcast %add3A_428 : i32 to vector<16xi32>
      %add3A_430 = arith.addi %and3A_424, %add3A_429 : vector<16xi32>
      %select_n3A_431 = arith.select %lt3A_427, %add3A_430, %and3A_424 : vector<16xi1>, vector<16xi32>
      %broadcast_in_dim3A_432 = vector.shape_cast %select_n3A_431 : vector<16xi32> to vector<16x1xi32>
      %gather3A_433 = vector.shape_cast %broadcast_in_dim3A_432 : vector<16x1xi32> to vector<16xi32>
      %gather3A_434 = tpu.dynamic_gather %add3A_418[%gather3A_433] in [0] : vector<16xf32>, vector<16xi32> -> vector<16xf32>
      %add3A_435 = arith.addf %add3A_418, %gather3A_434 : vector<16xf32>
      %add3A_436 = arith.constant 8 : i32
      %add3A_437 = vector.broadcast %add3A_436 : i32 to vector<16xi32>
      %add3A_438 = arith.addi %iota3A, %add3A_437 : vector<16xi32>
      %and3A_439 = arith.constant 15 : i32
      %and3A_440 = vector.broadcast %and3A_439 : i32 to vector<16xi32>
      %and3A_441 = arith.andi %add3A_438, %and3A_440 : vector<16xi32>
      %lt3A_442 = arith.constant 0 : i32
      %lt3A_443 = vector.broadcast %lt3A_442 : i32 to vector<16xi32>
      %lt3A_444 = arith.cmpi slt, %and3A_441, %lt3A_443 : vector<16xi32>
      %add3A_445 = arith.constant 16 : i32
      %add3A_446 = vector.broadcast %add3A_445 : i32 to vector<16xi32>
      %add3A_447 = arith.addi %and3A_441, %add3A_446 : vector<16xi32>
      %select_n3A_448 = arith.select %lt3A_444, %add3A_447, %and3A_441 : vector<16xi1>, vector<16xi32>
      %broadcast_in_dim3A_449 = vector.shape_cast %select_n3A_448 : vector<16xi32> to vector<16x1xi32>
      %gather3A_450 = vector.shape_cast %broadcast_in_dim3A_449 : vector<16x1xi32> to vector<16xi32>
      %gather3A_451 = tpu.dynamic_gather %add3A_435[%gather3A_450] in [0] : vector<16xf32>, vector<16xi32> -> vector<16xf32>
      %add3A_452 = arith.addf %add3A_435, %gather3A_451 : vector<16xf32>
      %neg3A = arith.constant 0.000000e+00 : f32
      %neg3A_453 = vector.broadcast %neg3A : f32 to vector<16xf32>
      %neg3A_454 = arith.subf %neg3A_453, %add3A_452 : vector<16xf32>
      %exp3A = math.exp %neg3A_454 : vector<16xf32>
      %add3A_455 = arith.constant 1.000000e+00 : f32
      %add3A_456 = vector.broadcast %add3A_455 : f32 to vector<16xf32>
      %add3A_457 = arith.addf %add3A_456, %exp3A : vector<16xf32>
      %div3A_458 = arith.constant 1.000000e+00 : f32
      %div3A_459 = vector.broadcast %div3A_458 : f32 to vector<16xf32>
      %div3A_460 = arith.divf %div3A_459, %add3A_457 : vector<16xf32>
      %swap3A_461 = arith.constant 0 : index
      %swap3A_462 = tpu.vector_load %arg14[%swap3A_461] {strides = array<i32>} : memref<16xf32, #tpu.memory_space<vmem>>, vector<16xf32>,
      %swap3A_463 = vector.shape_cast %swap3A_462 : vector<16xf32> to vector<16xf32>
      %swap3A_464 = vector.shape_cast %div3A_460 : vector<16xf32> to vector<16xf32>
      tpu.vector_store %arg14[%swap3A_461], %swap3A_464 {strides = array<i32>} : memref<16xf32, #tpu.memory_space<vmem>>, vector<16xf32>,
      "tpu.region"() ({
        %run_scoped3A = tpu.sem_alloc : memref<!tpu.dma_semaphore, #tpu.memory_space<semaphore_mem>>
        tpu.enqueue_dma source(%arg14 : memref<16xf32, #tpu.memory_space<vmem>>) target(%arg8 : memref<16xf32, #tpu.memory_space<hbm>>) target_semaphore(%run_scoped3A : memref<!tpu.dma_semaphore, #tpu.memory_space<semaphore_mem>>)
        tpu.wait_dma2 semaphore(%run_scoped3A : memref<!tpu.dma_semaphore, #tpu.memory_space<semaphore_mem>>) src(%arg14 : memref<16xf32, #tpu.memory_space<vmem>>) dst(%arg8 : memref<16xf32, #tpu.memory_space<hbm>>)
        tpu.yield
      }) : () -> ()
    } else {
    }
    return
  }
}

</mosaic_0001>

<sc_bundles>
// kernel: kernel.3.cloned.1.call-start
scs
__scs_entry_jumppad:
0x0: {  	(pc) =	sbr.rel $0x88, $3  }
0x1: {  	(tag) =	ssettag $0x0;
	lr =	simm.s32 $0x1  }
0x2: {  	[smem:$0x3F9B] =	sst lr;
	_ =	strace $0xD0000000  }
0x3: {  	_ = 	snop  }
0x4: {  	_ = 	snop  }
0x5: {  	_ = 	snop  }
0x6: {  	_ = 	snop  }
0x7: {  	_ = 	snop  }
__scs_overlays_trampoline_lowered:
0x8: {  	[smem:$0x3FAA] =	sst s0  }
0x9: {  	[smem:$0x3FAB] =	sst s1  }
0xa: {  	[smem:$0x3FAC] =	sst s2  }
0xb: {  	[smem:$0x3FAD] =	sst s3  }
0xc: {  	[smem:$0x3FAE] =	sst s4  }
0xd: {  	[smem:$0x3FAF] =	sst s5  }
0xe: {  	[smem:$0x3FB0] =	sst s6  }
0xf: {  	[smem:$0x3FB1] =	sst s7  }
0x10: {  	[smem:$0x3FB2] =	sst s8  }
0x11: {  	[smem:$0x3FB3] =	sst s9;
	s0 =	simm.s32 @!p0 $0x0  }
0x12: {  	s1 =	sld [smem:$0x3F99];
	s0 =	simm.s32 @p0 $0x1  }
0x13: {  	[smem:$0x3FB4] =	sst s0;
	s0 =	simm.s32 @!p1 $0x0  }
0x14: {  	s2 =	sld [smem:$0x3F98];
	s0 =	simm.s32 @p1 $0x1  }
0x15: {  	[smem:$0x3FB5] =	sst s0;
	s0 =	simm.s32 @!p2 $0x0  }
0x16: {  	s3 =	sld [smem:$0x3FDB];
	s0 =	simm.s32 @p2 $0x1  }
0x17: {  	s4 =	simm.s32 $0x1BF5;
	[smem:$0x3FB7] =	sst s0  }
0x18: {  	s0 =	sld [smem:$0x3F9A];
	_ =	swait.ge [sflag:s4], $0x0  }
0x19: {  	s7 =	sld [smem:$0x3F9B]  }
0x1a: {  	s8 =	sadd.s32 $0xFFFFE003, lr  }
0x1b: {  	s9 =	sadd.s32 $0xFFFFFEF7, lr;
	s5 =	simm.s32 $0xFFFFFFFF;
	p2 =	slt.u32 s8, $0xFFFFF086  }
0x1c: {  	p1 =	slt.u32 s9, $0xF7A;
	s5 =	simm.s32 @!p2 $0x0  }
0x1d: {  	s5 =	simm.s32 @p1 $0x1;
	p0 =	seq.s32 s7, s2  }
0x1e: {  	s7 =	smul.u32 @!p0 $0xF7A, s2;
	p2 =	seq.s32 @!p0 s5, $0x0  }
0x1f: {  	s9 =	smul.u32 $0xF7A, s1;
	s8 =	simm.s32 @!p0 $0x1BF5;
	p2 =	por !p2, p0  }
0x20: {  	[sflag:s8] =	ssyncset.s32 @!p0 $0xFFFFF086;
	s6 =	sadd.s32 @!p0 s3, s7;
	s7 =	simm.s32 @!p0 $0x108  }
0x21: {  	s3 =	sadd.s32 s3, s9;
	s6 =	sadd.s32 @!p0 $0x88, s6;
	s7 =	simm.s32 @p2 $0x1082  }
0x22: {  	[simem:s7], [sflag:s8] =	dma.local @!p0 [hbm:s6], $0xF7A  }
0x23: {  	s9 =	sor.u32 $0xD0000000, s2;
	s6 =	simm.s32 $0x108;
	_ =	swait.ge @!p0 [sflag:s8], $0x0  }
0x24: {  	s3 =	sadd.s32 $0x88, s3;
	s6 =	simm.s32 @!p1 $0x1082;
	[sflag:s4] =	ssyncset.s32 $0xFFFFF086  }
0x25: {  	[simem:s6], [sflag:s4] =	dma.local [hbm:s3], $0xF7A  }
0x26: {  	[smem:$0x3F9B] =	sst s1;
	(tag) =	ssettag s2;
	_ =	strace s9  }
0x27: {  	s1 =	sld [smem:$0x3FAB]  }
0x28: {  	s2 =	sld [smem:$0x3FAC]  }
0x29: {  	s4 =	sld [smem:$0x3FAE]  }
0x2a: {  	p0 =	seq.s32 s5, $0x0;
	s5 =	sld [smem:$0x3FAF]  }
0x2b: {  	s6 =	sld [smem:$0x3FB0]  }
0x2c: {  	s7 =	sld [smem:$0x3FB1]  }
0x2d: {  	s3 =	simm.s32 $0x108;
	s8 =	sld [smem:$0x3FB2]  }
0x2e: {  	s3 =	simm.s32 @!p0 $0x1082;
	s9 =	sld [smem:$0x3FB3]  }
0x2f: {  	lr =	sadd.s32 s0, s3;
	s0 =	sld [smem:$0x3FAA]  }
0x30: {  	s3 =	sld [smem:$0x3FAD]  }
0x31: {  	[smem:$0x3FB6] =	sst s10  }
0x32: {  	s10 =	sld [smem:$0x3FB4];
	_ =	sdelay $0x3  }
0x33: {  	p0 =	seq.s32 s10, $0x1;
	s10 =	sld [smem:$0x3FB6];
	_ =	sdelay $0x3  }
0x34: {  	[smem:$0x3FB6] =	sst s10  }
0x35: {  	s10 =	sld [smem:$0x3FB5];
	_ =	sdelay $0x3  }
0x36: {  	p1 =	seq.s32 s10, $0x1;
	s10 =	sld [smem:$0x3FB6];
	_ =	sdelay $0x3  }
0x37: {  	[smem:$0x3FB6] =	sst s10  }
0x38: {  	s10 =	sld [smem:$0x3FB7]  }
0x39: {  	_ = 	snop;
	(pc) =	sbr.ind lr, $3  }
0x3a: {  	_ = 	snop  }
0x3b: {  	_ = 	snop  }
0x3c: {  	p2 =	seq.s32 s10, $0x1;
	s10 =	sld [smem:$0x3FB6]  }
0x3d: {  	_ =	shalt  }
0x3e: {  	_ =	shalt  }
0x3f: {  	_ =	shalt  }
0x40: {  	_ =	shalt  }
0x41: {  	_ =	shalt  }
0x42: {  	_ =	shalt  }
0x43: {  	_ =	shalt  }
0x44: {  	_ =	shalt  }
0x45: {  	_ =	shalt  }
0x46: {  	_ =	shalt  }
0x47: {  	_ =	shalt  }
0x48: {  	_ =	shalt  }
0x49: {  	_ =	shalt  }
0x4a: {  	_ =	shalt  }
0x4b: {  	_ =	shalt  }
0x4c: {  	_ =	shalt  }
0x4d: {  	_ =	shalt  }
0x4e: {  	_ =	shalt  }
0x4f: {  	_ =	shalt  }
0x50: {  	_ =	shalt  }
0x51: {  	_ =	shalt  }
0x52: {  	_ =	shalt  }
0x53: {  	_ =	shalt  }
0x54: {  	_ =	shalt  }
0x55: {  	_ =	shalt  }
0x56: {  	_ =	shalt  }
0x57: {  	_ =	shalt  }
0x58: {  	_ =	shalt  }
0x59: {  	_ =	shalt  }
0x5a: {  	_ =	shalt  }
0x5b: {  	_ =	shalt  }
0x5c: {  	_ =	shalt  }
0x5d: {  	_ =	shalt  }
0x5e: {  	_ =	shalt  }
0x5f: {  	_ =	shalt  }
0x60: {  	_ =	shalt  }
0x61: {  	_ =	shalt  }
0x62: {  	_ =	shalt  }
0x63: {  	_ =	shalt  }
0x64: {  	_ =	shalt  }
0x65: {  	_ =	shalt  }
0x66: {  	_ =	shalt  }
0x67: {  	_ =	shalt  }
0x68: {  	_ =	shalt  }
0x69: {  	_ =	shalt  }
0x6a: {  	_ =	shalt  }
0x6b: {  	_ =	shalt  }
0x6c: {  	_ =	shalt  }
0x6d: {  	_ =	shalt  }
0x6e: {  	_ =	shalt  }
0x6f: {  	_ =	shalt  }
0x70: {  	_ =	shalt  }
0x71: {  	_ =	shalt  }
0x72: {  	_ =	shalt  }
0x73: {  	_ =	shalt  }
0x74: {  	_ =	shalt  }
0x75: {  	_ =	shalt  }
0x76: {  	_ =	shalt  }
0x77: {  	_ =	shalt  }
0x78: {  	_ =	shalt  }
0x79: {  	_ =	shalt  }
0x7a: {  	_ =	shalt  }
0x7b: {  	_ =	shalt  }
0x7c: {  	_ =	shalt  }
0x7d: {  	_ =	shalt  }
0x7e: {  	_ =	shalt  }
0x7f: {  	_ =	shalt  }
0x80: {  	_ =	shalt  }
0x81: {  	_ =	shalt  }
0x82: {  	_ =	shalt  }
0x83: {  	_ =	shalt  }
0x84: {  	_ =	shalt  }
0x85: {  	_ =	shalt  }
0x86: {  	_ =	shalt  }
0x87: {  	_ =	shalt  }
.Lfunc_end0:
.L_simem_size_0:
called_computation_lowered:
.L_overlay_start_0:
0x88: {  	s0 =	sld [smem:$0x3FD9]  }
0x89: {  	s1 =	sld [smem:$0x3FFE];
	_ =	sdelay $0x3  }
0x8a: {  	s0 =	sadd.s32 s1, s0  }
0x8b: {  	[smem:$0x3FC2] =	sst s0  }
0x8c: {  	_ = 	snop  }
0x8d: {  	s0 =	sld [smem:$0x3FC9]  }
0x8e: {  	s17 =	sld [smem:$0x3FC8]  }
0x8f: {  	s2 =	sld [smem:$0x3FC7]  }
0x90: {  	s3 =	sld [smem:$0x3FC6]  }
0x91: {  	s4 =	sld [smem:$0x3FC5]  }
0x92: {  	s5 =	sld [smem:$0x3FC4]  }
0x93: {  	s6 =	sld [smem:$0x3FD0];
	(tm) =	ssettm $0x1  }
0x94: {  	s7 =	sld [smem:$0x3FFB];
	_ =	sdelay $0x3  }
0x95: {  	_ =	strace s7  }
0x96: {  	s7 =	sld [smem:$0x3FFC];
	_ =	sdelay $0x3  }
0x97: {  	_ =	strace s7  }
0x98: {  	s7 =	sld [smem:$0x3FFD];
	_ =	sdelay $0x3  }
0x99: {  	_ =	strace s7  }
0x9a: {  	_ =	strace $0x8FFFFFFF  }
0x9b: {  	s18 =	sld [smem:$0x3FDB];
	_ =	sdelay $0x1  }
0x9c: {  	s8 =	simm.s32 $_scs_section_size  }
0x9d: {  	s9 =	simm.s32 $_size__tile_overlayer_lowered;
	s10 =	simm.s32 $_tile_overlayer_lowered  }
0x9e: {  	s21 =	simm.s32 $0x1BFF;
	s20 =	sshll.u32 s10, $0x1;
	s7 =	sadd.s32 s8, s18  }
0x9f: {  	s11 =	simm.s32 $0x0;
	s19 =	sshll.u32 s9, $0x1;
	s9 =	sadd.s32 s20, s7  }
0xa0: {  	[timem:s11], [sflag:s21] =	dma.local [hbm:s9], s19  }
0xa1: {  	_ =	swait.ge [sflag:s21], s19  }
0xa2: {  	s8 =	ssub.s32 $0x0, s19;
	[sflag:s21] =	ssyncset.done $0x0  }
0xa3: {  	[sflag:s21] =	ssyncadd.s32 s8;
	_ =	sdelay $0x1  }
0xa4: {  	s22 =	simm.s32 $0x1B8B  }
0xa5: {  	_ =	swait.ge [sflag:s22], $0x1  }
0xa6: {  	[sflag:s22] =	ssyncset.done $0x0  }
0xa7: {  	s23 =	simm.s32 $0x1B8E;
	[sflag:s22] =	ssyncadd.s32 $0xFFFFFFFF  }
0xa8: {  	s24 =	simm.s32 $execute0_lowered;
	[smem:$0x3FD2] =	sst s23  }
0xa9: {  	s8 =	sshll.u32 s24, $0x1;
	_ =	strace $0x80000046;
	[dreg:$0x1] =	wrdreg $0xFFFFFFFF  }
0xaa: {  	s25 =	simm.s32 $_size_execute0_lowered;
	s7 =	sadd.s32 s7, s8;
	[dreg:$0x0] =	wrdreg $0x0  }
0xab: {  	s8 =	sshll.u32 s25, $0x1;
	[dreg:$0x2] =	wrdreg s7  }
0xac: {  	[dreg:$0x3] =	wrdreg s8  }
0xad: {  	[dreg:$0x4] =	wrdreg $0xC0  }
0xae: {  	_ =	task [dreg:s11], $0x5FFFF  }
0xaf: {  	[dreg:$0x1] =	wrdreg $0xFFFFFFFF  }
0xb0: {  	[dreg:$0x0] =	wrdreg $0x60  }
0xb1: {  	[dreg:$0x2] =	wrdreg s0  }
0xb2: {  	[dreg:$0x3] =	wrdreg s17  }
0xb3: {  	[dreg:$0x4] =	wrdreg s2  }
0xb4: {  	[dreg:$0x5] =	wrdreg s5  }
0xb5: {  	[dreg:$0x6] =	wrdreg s3  }
0xb6: {  	[dreg:$0x7] =	wrdreg s4  }
0xb7: {  	[dreg:$0x8] =	wrdreg s6  }
0xb8: {  	[dreg:$0x9] =	wrdreg $0x1D800  }
0xb9: {  	[dreg:$0xa] =	wrdreg $0x9  }
0xba: {  	_ =	task.clear_ibuf [dreg:s11], $0xBFFFF;
	_ =	strace $0x90000046  }
0xbb: {  	s26 =	simm.s32 $0x9;
	_ =	strace $0x80000048  }
0xbc: {  	_ =	swait.ge [sflag:s26], $0x1  }
0xbd: {  	[sflag:s26] =	ssyncadd.s32 $0xFFFFFFFF  }
0xbe: {  	_ =	strace $0x90000048  }
0xbf: {  	_ =	sfence  }
0xc0: {  	s28 =	sld [smem:$0x0];
	_ =	sdelay $0x1  }
0xc1: {  	s29 =	srdreg.scid  }
0xc2: {  	s30 =	sshll.u32 s29, $0xD;
	s31 =	sshrl.u32 s29, $0x2  }
0xc3: {  	s1 =	sand.u32 $0x1, s29;
	s2 =	sand.u32 $0x4000, s30;
	s0 =	sadd.s32 s31, s28  }
0xc4: {  	s1 =	sor.u32 s2, s1;
	s0 =	sshll.u32 s0, $0x11  }
0xc5: {  	s0 =	sor.u32 s0, s1  }
0xc6: {  	s0 =	sadd.s32 $0x8F2B, s0  }
0xc7: {  	[sflag:s0] =	ssyncadd.remote.s32 $0x1  }
0xc8: {  	_ =	sfence.sel $0xFFFF  }
0xc9: {  	[dreg:$0x0] =	wrdreg $0xFFFFFFFF;
	(pc) =	sbr.abs _section_cstart, $3  }
0xca: {  	[dreg:$0x1] =	wrdreg $0xFFFFFFFF  }
0xcb: {  	_ =	task.clear_ibuf [dreg:s11], $0x2FFFF;
	_ =	strace $0x9FFFFFFF  }
0xcc: {  	(tm) =	ssettm $0x7FFFFFFF  }
0xcd: {  	_ =	shalt  }
tec
execute0_lowered:
.L_overlay_start_1:
0x0: {  	(tag) =	ssettag $0x1  }
0x1: {  	s9 =	rddreg [dreg:$0x0]  }
0x2: {  	s10 =	rddreg [dreg:$0x1]  }
0x3: {  	s7 =	rddreg [dreg:$0x2]  }
0x4: {  	s8 =	rddreg [dreg:$0x3]  }
0x5: {  	s3 =	rddreg [dreg:$0x4]  }
0x6: {  	s12 =	rddreg [dreg:$0x5]  }
0x7: {  	s1 =	rddreg [dreg:$0x6];
	s11 =	stileid.u32  }
0x8: {  	s2 =	rddreg [dreg:$0x7];
	p0 =	sne.s32 s11, $0x0  }
.Ltmp0:
0x9: {  	s0 =	rddreg [dreg:$0x8];
	s13 =	simm.s32 $0x0;
	(pc) =	sbr.rel @!p0 .LBB2_1-.Ltmp0, $4  }
0xa: {  	s5 =	simm.s32 $0x1880;
	[smem:$0x7FF] =	sst s13;
	s4 =	sshll.u32 s11, $0x7  }
0xb: {  	s6 =	sadd.s32 $0x680, s2;
	_ =	strace $0x80000047;
	s3 =	sadd.s32 s3, s4  }
0xc: {  	[tilespmem:s5], [sflag:$0x2] =	stream.linear.gather [hbm4b:s3+s13], $0x400, $0x38;
	[tilespmem:$0x1E70] =	vst v63  }
0xd: {  	s3 =	sadd.s32 s4, s2;
	s5 =	sshrl.u32 s11, $0x1;
	s4 =	sshll.u32 s11, $0x3  }
0xe: {  	p1 =	sgt.u32 s11, $0xC  }
.Ltmp1:
0xf: {  	_ = 	snop;
	(pc) =	sbr.rel @!p1 .LBB2_3-.Ltmp1, $1  }
0x10: {  	_ =	sdelay $0x3  }
0x11: {  	p1 =	sne.s32 s11, $0xD  }
.Ltmp2:
0x12: {  	_ = 	snop;
	(pc) =	sbr.rel @p1 .LBB2_9-.Ltmp2, $1  }
0x13: {  	_ =	sdelay $0x3  }
0x14: {  	s7 =	simm.s32 $0x0;
	s9 =	simm.s32 $0x4  }
0x15: {  	[tilespmem:s7], [sflag:$0x4] =	stream.linear.gather [hbm4b:s10+s7], $0x1, $0x38;
	[tilespmem:$0x1E70] =	vst v63  }
0x16: {  	_ =	swait.ge [sflag:s9], $0x1  }
0x17: {  	[sflag:s9] =	ssyncset.done $0x0  }
0x18: {  	s30 =	simm.s32 $0x1;
	s31 =	simm.s32 $0x880;
	[sflag:s9] =	ssyncadd.s32 $0xFFFFFFFF  }
0x19: {  	[tilespmem:s31], [sflag:$0x1] =	stream.indirect.gather [hbm4b:s8+s30], $0x80, s7, s30, $0xb8;
	[tilespmem:$0x1E70] =	vst v63  }
.Ltmp3:
0x1a: {  	_ = 	snop;
	(pc) =	sbr.rel .LBB2_8-.Ltmp3, $4  }
0x1b: {  	_ =	swait.ge [sflag:s30], $0x80  }
0x1c: {  	[sflag:s30] =	ssyncset.done $0x0  }
0x1d: {  	[sflag:s30] =	ssyncadd.s32 $0xFFFFFF80  }
0x1e: {  	[spmem:s6] =	stream.linear.scatter [tilespmem:s31], [sflag:$0x4], $0x80, $0x38;
	[tilespmem:$0x1E70] =	vst v63  }
.LBB2_1:
0x1f: {  	s8 =	simm.s32 $0x1C80  }
0x20: {  	[tilespmem:s8], [sflag:$0x3] =	stream.linear.gather [hbm4b:s12+s13], $0x80, $0x38;
	[tilespmem:$0x1E70] =	vst v63  }
.LBB2_3:
0x21: {  	s8 =	sshll.u32 s11, $0x4  }
0x22: {  	s10 =	smin.u32 s8, $0xB8  }
0x23: {  	s25 =	sshrl.u32 s10, $0x3  }
0x24: {  	s26 =	simm.s32 $0x0;
	s28 =	simm.s32 $0x4;
	s9 =	sadd.s32 s9, s25  }
0x25: {  	[tilespmem:s26], [sflag:$0x4] =	stream.linear.gather [hbm4b:s9+s26], $0x10, $0x38;
	[tilespmem:$0x1E70] =	vst v63  }
0x26: {  	_ =	swait.ge [sflag:s28], $0x10  }
0x27: {  	s29 =	simm.s32 $0x10;
	[sflag:s28] =	ssyncset.done $0x0  }
0x28: {  	s12 =	simm.s32 $0x80;
	s30 =	simm.s32 $0x1;
	[sflag:s28] =	ssyncadd.s32 $0xFFFFFFF0  }
0x29: {  	[tilespmem:s12], [sflag:$0x1] =	stream.indirect.gather [hbm4b:s7+s29], $0x80, s26, s29, $0xb8;
	[tilespmem:$0x1E70] =	vst v63  }
0x2a: {  	_ =	swait.ge [sflag:s30], $0x800  }
0x2b: {  	[sflag:s30] =	ssyncset.done $0x0  }
0x2c: {  	s31 =	simm.s32 $0xC0;
	[sflag:s30] =	ssyncadd.s32 $0xFFFFF800  }
0x2d: {  	v0 =	vld [tilespmem:s31+$0x30]  }
0x2e: {  	v1 =	vld [tilespmem:s31+$0xFFFFFFC0]  }
0x2f: {  	v2 =	vld [tilespmem:s31+$0xFFFFFFD0]  }
0x30: {  	v3 =	vld [tilespmem:s31+$0xFFFFFFE0]  }
0x31: {  	s9 =	ssub.s32 s8, s10  }
0x32: {  	p1 =	sgt.s32 s9, $0x0;
	s7 =	simm.f32 $0.0e+00;
	v11 =	vld [tilespmem:s31+$0xFFFFFFF0]  }
0x33: {  	v5 =	vimm.f32 $0.0e+00;
	v7 =	vimm.f32 $0.0e+00;
	v8 =	vimm.f32 $0.0e+00;
	s7 =	simm.s32 @!p1 $0x3F800000;
	v12 =	vld [tilespmem:s31+$0x0]  }
0x34: {  	v10 =	vimm.f32 $0.0e+00;
	v6 =	vld [tilespmem:s31+$0x10];
	v0 =	vmul.f32 s7, v0;
	v1 =	vmul.f32 s7, v1  }
0x35: {  	s10 =	simm.s32 $0x140;
	v9 =	vld [tilespmem:s31+$0x20];
	v13 =	vmul.f32 s7, v2;
	v14 =	vmul.f32 s7, v3;
	v3 =	vimm.f32 $0.0e+00  }
0x36: {  	s11 =	simm.s32 $0x1;
	s8 =	simm.f32 $0.0e+00;
	s12 =	simm.s32 $0x2;
	v4 =	vld [tilespmem:s10+$0x30];
	v0 =	vadd.f32 v0, v5;
	v2 =	vadd.f32 v1, v5;
	v1 =	vimm.f32 $0.0e+00  }
.LBB2_4:
0x37: {  	_ = 	snop  }
0x38: {  	p1 =	sne.s32 s12, $0xF;
	v15 =	vld [tilespmem:s10+$0xFFFFFFC0];
	v5 =	vadd.f32 v13, v5;
	v11 =	vmul.f32 s7, v11  }
0x39: {  	v13 =	vld [tilespmem:s10+$0xFFFFFFD0];
	v7 =	vadd.f32 v14, v7;
	v12 =	vmul.f32 s7, v12  }
0x3a: {  	p2 =	slt.s32 s11, s9;
	s11 =	smov.u32 s12;
	v14 =	vld [tilespmem:s10+$0xFFFFFFE0];
	v8 =	vadd.f32 v11, v8;
	v6 =	vmul.f32 s7, v6;
	v9 =	vmul.f32 s7, v9;
	s7 =	simm.f32 $0.0e+00  }
.Ltmp4:
0x3b: {  	v11 =	vld [tilespmem:s10+$0xFFFFFFF0];
	v10 =	vadd.f32 v12, v10;
	s7 =	simm.s32 @!p2 $0x3F800000;
	(pc) =	sbr.rel @p1 .LBB2_4-.Ltmp4, $4  }
0x3c: {  	v3 =	vadd.f32 v6, v3;
	v12 =	vld [tilespmem:s10+$0x0];
	v4 =	vmul.f32 s7, v4  }
0x3d: {  	v15 =	vmul.f32 s7, v15;
	v1 =	vadd.f32 v9, v1;
	v6 =	vld [tilespmem:s10+$0x10]  }
0x3e: {  	v13 =	vmul.f32 s7, v13;
	v9 =	vld [tilespmem:s10+$0x20];
	v0 =	vadd.f32 v4, v0;
	s10 =	sadd.s32 $0x80, s10  }
0x3f: {  	s12 =	sadd.s32 $0x1, s12;
	v2 =	vadd.f32 v15, v2;
	v14 =	vmul.f32 s7, v14;
	v4 =	vld [tilespmem:s10+$0x30]  }
0x40: {  	v15 =	vld [tilespmem:s10+$0xFFFFFFC0]  }
0x41: {  	v16 =	vld [tilespmem:s10+$0xFFFFFFD0]  }
0x42: {  	v17 =	vld [tilespmem:s10+$0xFFFFFFE0];
	p1 =	slt.s32 s11, s9  }
0x43: {  	v18 =	vld [tilespmem:s10+$0xFFFFFFF0];
	s8 =	simm.s32 @!p1 $0x3F800000  }
0x44: {  	v11 =	vmul.f32 s7, v11;
	v19 =	vld [tilespmem:s10+$0x0];
	v5 =	vadd.f32 v13, v5;
	v4 =	vmul.f32 s8, v4  }
0x45: {  	v55 =	vld [tilespmem:s10+$0x20];
	v12 =	vmul.f32 s7, v12;
	v7 =	vadd.f32 v14, v7;
	v52 =	vmul.f32 s8, v15  }
0x46: {  	v53 =	vld [tilespmem:s10+$0x10];
	v8 =	vadd.f32 v11, v8;
	v54 =	vmul.f32 s8, v16;
	v0 =	vadd.f32 v4, v0  }
0x47: {  	v6 =	vmul.f32 s7, v6;
	v56 =	vmul.f32 s8, v17;
	v2 =	vadd.f32 v52, v2  }
0x48: {  	v9 =	vmul.f32 s7, v9;
	v57 =	vmul.f32 s8, v18;
	v5 =	vadd.f32 v54, v5;
	[tilespmem:$0x970] =	vst v0  }
0x49: {  	v10 =	vadd.f32 v12, v10;
	v58 =	vmul.f32 s8, v19;
	v7 =	vadd.f32 v56, v7;
	[tilespmem:$0x900] =	vst v2  }
0x4a: {  	v1 =	vadd.f32 v9, v1;
	v63 =	vmul.f32 s8, v55;
	v60 =	vadd.f32 v57, v8;
	[tilespmem:$0x910] =	vst v5  }
0x4b: {  	v59 =	vadd.f32 v6, v3;
	v61 =	vmul.f32 s8, v53;
	v62 =	vadd.f32 v58, v10;
	[tilespmem:$0x920] =	vst v7  }
0x4c: {  	v1 =	vadd.f32 v63, v1;
	[tilespmem:$0x930] =	vst v60  }
0x4d: {  	v2 =	vadd.f32 v61, v59;
	[tilespmem:$0x940] =	vst v62  }
0x4e: {  	[tilespmem:$0x960] =	vst v1  }
0x4f: {  	s31 =	simm.s32 $0x900;
	[tilespmem:$0x950] =	vst v2  }
0x50: {  	[spmem:s3] =	stream.linear.scatter [tilespmem:s31], [sflag:$0x4], $0x80, $0x38;
	[tilespmem:$0x1E70] =	vst v63  }
.LBB2_8:
0x51: {  	s7 =	simm.s32 $0x4  }
0x52: {  	_ =	swait.ge [sflag:s7], $0x80  }
0x53: {  	[sflag:s7] =	ssyncset.done $0x0  }
0x54: {  	[sflag:s7] =	ssyncadd.s32 $0xFFFFFF80  }
.LBB2_9:
0x55: {  	[bflag:$0x0] =	sbarrier.arrive $0xFFFF;
	s7 =	simm.s32 $0x880  }
0x56: {  	[tilespmem:s7], [sflag:$0x4] =	stream.linear.gather [spmem:s6], $0x80, $0x38;
	[tilespmem:$0x1E70] =	vst v63  }
0x57: {  	p1 =	seq.s32 s5, $0x1;
	s6 =	simm.s32 $0x890  }
0x58: {  	p2 =	seq.s32 s5, $0x2;
	s6 =	simm.s32 @!p1 $0x880  }
0x59: {  	p1 =	seq.s32 s5, $0x3;
	s6 =	simm.s32 @p2 $0x8A0  }
0x5a: {  	p2 =	seq.s32 s5, $0x4;
	s6 =	simm.s32 @p1 $0x8B0  }
0x5b: {  	s28 =	simm.s32 $0x4;
	p1 =	seq.s32 s5, $0x5;
	s6 =	simm.s32 @p2 $0x8C0  }
0x5c: {  	_ =	swait.ge [sflag:s28], $0x80;
	p2 =	seq.s32 s5, $0x6;
	s6 =	simm.s32 @p1 $0x8D0  }
0x5d: {  	[sflag:s28] =	ssyncset.done $0x0;
	p1 =	seq.s32 s5, $0x7;
	s6 =	simm.s32 @p2 $0x8E0  }
0x5e: {  	s29 =	simm.s32 $0x2;
	[sflag:s28] =	ssyncadd.s32 $0xFFFFFF80;
	s6 =	simm.s32 @p1 $0x8F0  }
0x5f: {  	v2 =	vld [tilespmem:s6+$0x0];
	_ =	swait.ge [sflag:s29], $0x400  }
0x60: {  	[sflag:s29] =	ssyncset.done $0x0  }
0x61: {  	s30 =	simm.s32 $0x18C0;
	[sflag:s29] =	ssyncadd.s32 $0xFFFFFC00  }
0x62: {  	v0 =	vld [tilespmem:s30+$0x30]  }
0x63: {  	v3 =	vld [tilespmem:s30+$0xFFFFFFC0]  }
0x64: {  	s4 =	sand.u32 $0x8, s4;
	v4 =	vld [tilespmem:s30+$0xFFFFFFD0]  }
0x65: {  	s31 =	sadd.s32 $0x0, s4;
	v5 =	vld [tilespmem:s30+$0xFFFFFFE0]  }
0x66: {  	v1 =	vmov s31  }
0x67: {  	v14 =	vld [tilespmem:s30+$0xFFFFFFF0];
	v1 =	vperm.xlane v2, v1  }
0x68: {  	v6 =	vimm.f32 $0.0e+00;
	v10 =	vimm.f32 $0.0e+00;
	v11 =	vimm.f32 $0.0e+00;
	v13 =	vld [tilespmem:s30+$0x0]  }
0x69: {  	v12 =	vimm.f32 $0.0e+00;
	v8 =	vld [tilespmem:s30+$0x10];
	v0 =	vmul.f32 v0, v1;
	v3 =	vmul.f32 v3, v1  }
0x6a: {  	s5 =	simm.s32 $0x1940;
	v9 =	vld [tilespmem:s30+$0x20];
	v15 =	vmul.f32 v4, v1;
	v16 =	vmul.f32 v5, v1;
	v5 =	vimm.f32 $0.0e+00  }
0x6b: {  	s3 =	sadd.s32 $0x700, s3;
	s7 =	simm.s32 $0x2;
	s6 =	simm.s32 $0x1;
	v7 =	vld [tilespmem:s5+$0x30];
	v0 =	vadd.f32 v0, v6;
	v4 =	vadd.f32 v3, v6;
	v3 =	vimm.f32 $0.0e+00  }
.LBB2_10:
0x6c: {  	p1 =	sne.s32 s7, $0x7;
	s8 =	sadd.s32 s6, s4;
	v17 =	vld [tilespmem:s5+$0xFFFFFFC0];
	v6 =	vadd.f32 v15, v6;
	v14 =	vmul.f32 v14, v1;
	s6 =	smov.u32 s7  }
0x6d: {  	v15 =	vmov s8;
	v18 =	vld [tilespmem:s5+$0xFFFFFFD0];
	v10 =	vadd.f32 v16, v10;
	v13 =	vmul.f32 v13, v1  }
0x6e: {  	v15 =	vperm.xlane v2, v15;
	v16 =	vld [tilespmem:s5+$0xFFFFFFE0];
	v11 =	vadd.f32 v14, v11;
	v8 =	vmul.f32 v8, v1  }
.Ltmp5:
0x6f: {  	v14 =	vld [tilespmem:s5+$0xFFFFFFF0];
	v12 =	vadd.f32 v13, v12;
	v9 =	vmul.f32 v9, v1;
	(pc) =	sbr.rel @p1 .LBB2_10-.Ltmp5, $4  }
0x70: {  	v13 =	vld [tilespmem:s5+$0x0];
	v7 =	vmul.f32 v7, v15;
	v5 =	vadd.f32 v8, v5;
	v1 =	vmov v15  }
0x71: {  	v17 =	vmul.f32 v17, v1;
	v8 =	vld [tilespmem:s5+$0x10];
	v3 =	vadd.f32 v9, v3  }
0x72: {  	v15 =	vmul.f32 v18, v1;
	v9 =	vld [tilespmem:s5+$0x20];
	v0 =	vadd.f32 v7, v0;
	s5 =	sadd.s32 $0x80, s5  }
0x73: {  	s7 =	sadd.s32 $0x1, s7;
	v7 =	vld [tilespmem:s5+$0x30];
	v4 =	vadd.f32 v17, v4;
	v16 =	vmul.f32 v16, v1  }
0x74: {  	v17 =	vld [tilespmem:s5+$0xFFFFFFC0]  }
0x75: {  	s4 =	sadd.s32 s6, s4;
	v18 =	vld [tilespmem:s5+$0xFFFFFFD0]  }
0x76: {  	v20 =	vld [tilespmem:s5+$0xFFFFFFE0];
	v19 =	vmov s4  }
0x77: {  	v49 =	vld [tilespmem:s5+$0xFFFFFFF0];
	v2 =	vperm.xlane v2, v19  }
0x78: {  	v14 =	vmul.f32 v14, v1;
	v21 =	vld [tilespmem:s5+$0x0]  }
0x79: {  	v6 =	vadd.f32 v15, v6;
	v53 =	vld [tilespmem:s5+$0x20];
	v13 =	vmul.f32 v13, v1;
	v50 =	vmul.f32 v17, v2  }
0x7a: {  	v51 =	vld [tilespmem:s5+$0x10];
	v10 =	vadd.f32 v16, v10;
	v11 =	vadd.f32 v14, v11;
	v52 =	vmul.f32 v18, v2  }
0x7b: {  	v8 =	vmul.f32 v8, v1;
	v54 =	vmul.f32 v20, v2;
	v4 =	vadd.f32 v50, v4  }
0x7c: {  	v56 =	vmul.f32 v9, v1;
	v55 =	vmul.f32 v49, v2;
	v6 =	vadd.f32 v52, v6  }
0x7d: {  	v12 =	vadd.f32 v13, v12;
	v58 =	vmul.f32 v21, v2;
	v57 =	vadd.f32 v54, v10;
	[tilespmem:$0x900] =	vst v4  }
0x7e: {  	v1 =	vadd.f32 v56, v3;
	v63 =	vmul.f32 v53, v2;
	v60 =	vadd.f32 v55, v11;
	[tilespmem:$0x910] =	vst v6  }
0x7f: {  	v61 =	vmul.f32 v51, v2;
	v2 =	vmul.f32 v7, v2;
	v62 =	vadd.f32 v58, v12;
	[tilespmem:$0x920] =	vst v57  }
0x80: {  	v59 =	vadd.f32 v8, v5;
	v1 =	vadd.f32 v63, v1;
	[tilespmem:$0x930] =	vst v60  }
0x81: {  	v0 =	vadd.f32 v2, v0;
	[tilespmem:$0x940] =	vst v62  }
0x82: {  	v4 =	vadd.f32 v61, v59;
	[tilespmem:$0x960] =	vst v1  }
0x83: {  	[tilespmem:$0x970] =	vst v0  }
0x84: {  	s31 =	simm.s32 $0x900;
	[tilespmem:$0x950] =	vst v4  }
0x85: {  	[spmem:s3] =	stream.linear.scatter [tilespmem:s31], [sflag:$0x4], $0x80, $0x38;
	[tilespmem:$0x1E70] =	vst v63  }
0x86: {  	s3 =	simm.s32 $0x4  }
0x87: {  	_ =	swait.ge [sflag:s3], $0x80  }
0x88: {  	[sflag:s3] =	ssyncset.done $0x0  }
0x89: {  	[sflag:s3] =	ssyncadd.s32 $0xFFFFFF80  }
0x8a: {  	[bflag:$0x0] =	sbarrier.arrive $0xFFFF  }
0x8b: {  	_ =	sfence.sel @p0 $0x180000  }
0x8c: {  	[bflag:$0x0] =	sbarrier.arrive @p0 $0xFFFF  }
0x8d: {  	_ =	strace @p0 $0x90000047  }
0x8e: {  	[bflag:$0x2] =	sbarrier.arrive @p0 $0xFFFF  }
0x8f: {  	_ =	shalt @p0  }
.LBB2_12:
0x90: {  	s4 =	simm.s32 $0x880  }
0x91: {  	[tilespmem:s4], [sflag:$0x4] =	stream.linear.gather [spmem:s2], $0xF00, $0x38;
	[tilespmem:$0x1E70] =	vst v63  }
0x92: {  	_ =	swait.ge [sflag:s3], $0xF00  }
0x93: {  	[sflag:s3] =	ssyncset.done $0x0  }
0x94: {  	[sflag:s3] =	ssyncadd.s32 $0xFFFFF100  }
0x95: {  	v1 =	vld [tilespmem:$0x880]  }
0x96: {  	v3 =	vld [tilespmem:$0x890]  }
0x97: {  	v6 =	vld [tilespmem:$0x8A0]  }
0x98: {  	v8 =	vld [tilespmem:$0x8B0]  }
0x99: {  	v2 =	vld [tilespmem:$0x8C0]  }
0x9a: {  	v4 =	vld [tilespmem:$0x8D0]  }
0x9b: {  	v0 =	vld [tilespmem:$0x8E0]  }
0x9c: {  	s31 =	simm.s32 $0xF0;
	v5 =	vld [tilespmem:$0x8F0]  }
0x9d: {  	v7 =	vld [tilespmem:s31+$0x880]  }
0x9e: {  	v9 =	vld [tilespmem:s31+$0x810]  }
0x9f: {  	v12 =	vld [tilespmem:s31+$0x820]  }
0xa0: {  	v14 =	vld [tilespmem:s31+$0x830]  }
0xa1: {  	v15 =	vld [tilespmem:s31+$0x840]  }
0xa2: {  	v13 =	vld [tilespmem:s31+$0x850]  }
0xa3: {  	v16 =	vld [tilespmem:s31+$0x860];
	v10 =	vadd.f32 v7, v5  }
0xa4: {  	s2 =	simm.s32 $0x170;
	s3 =	simm.s32 $0x7C0;
	v17 =	vld [tilespmem:s31+$0x870];
	v11 =	vadd.f32 v9, v1;
	v12 =	vadd.f32 v12, v3  }
.LBB2_13:
0xa5: {  	p0 =	sne.s32 s3, $0x19C0;
	v1 =	vld [tilespmem:s2+$0x880];
	v6 =	vadd.f32 v14, v6  }
0xa6: {  	v3 =	vld [tilespmem:s2+$0x810];
	v8 =	vadd.f32 v15, v8  }
0xa7: {  	v5 =	vld [tilespmem:s2+$0x820];
	v2 =	vadd.f32 v13, v2  }
.Ltmp6:
0xa8: {  	v14 =	vld [tilespmem:s2+$0x830];
	v4 =	vadd.f32 v16, v4;
	(pc) =	sbr.rel @p0 .LBB2_13-.Ltmp6, $4  }
0xa9: {  	v15 =	vld [tilespmem:s2+$0x840];
	v0 =	vadd.f32 v17, v0  }
0xaa: {  	v13 =	vld [tilespmem:s2+$0x850];
	v10 =	vadd.f32 v1, v10  }
0xab: {  	v11 =	vadd.f32 v3, v11;
	v16 =	vld [tilespmem:s2+$0x860]  }
0xac: {  	v12 =	vadd.f32 v5, v12;
	v17 =	vld [tilespmem:s2+$0x870];
	s2 =	sshra.s32 s3, $0x2;
	s3 =	sadd.s32 $0x200, s3  }
0xad: {  	v18 =	vld [tilespmem:s2+$0x880]  }
0xae: {  	v19 =	vld [tilespmem:s2+$0x810]  }
0xaf: {  	v20 =	vld [tilespmem:s2+$0x820]  }
0xb0: {  	v21 =	vld [tilespmem:s2+$0x830]  }
0xb1: {  	v22 =	vld [tilespmem:s2+$0x840]  }
0xb2: {  	v23 =	vld [tilespmem:s2+$0x850]  }
0xb3: {  	v24 =	vld [tilespmem:s2+$0x860]  }
0xb4: {  	v25 =	vld [tilespmem:s2+$0x870]  }
0xb5: {  	v26 =	vld [tilespmem:$0xF80]  }
0xb6: {  	v27 =	vld [tilespmem:$0xF90]  }
0xb7: {  	v9 =	vld [tilespmem:$0xFA0]  }
0xb8: {  	v7 =	vld [tilespmem:$0xFB0]  }
0xb9: {  	v5 =	vld [tilespmem:$0xFC0]  }
0xba: {  	v3 =	vld [tilespmem:$0xFD0]  }
0xbb: {  	v1 =	vld [tilespmem:$0xFE0]  }
0xbc: {  	v28 =	vld [tilespmem:$0xFF0];
	s4 =	simm.s32 $0x0  }
0xbd: {  	v6 =	vadd.f32 v14, v6;
	v8 =	vadd.f32 v15, v8;
	v29 =	vld [tilespmem:s4+$0x1070]  }
0xbe: {  	v30 =	vld [tilespmem:s4+$0x1000];
	v2 =	vadd.f32 v13, v2;
	v4 =	vadd.f32 v16, v4  }
0xbf: {  	v32 =	vld [tilespmem:s4+$0x1010];
	v31 =	vadd.f32 v17, v0;
	v0 =	vadd.f32 v18, v10  }
0xc0: {  	v17 =	vadd.f32 v19, v11;
	v15 =	vadd.f32 v20, v12;
	v18 =	vld [tilespmem:s4+$0x1020]  }
0xc1: {  	v16 =	vld [tilespmem:s4+$0x1030];
	v13 =	vadd.f32 v21, v6;
	v10 =	vadd.f32 v22, v8  }
0xc2: {  	v14 =	vld [tilespmem:s4+$0x1040];
	v8 =	vadd.f32 v23, v2;
	v6 =	vadd.f32 v24, v4  }
0xc3: {  	v12 =	vld [tilespmem:s4+$0x1050];
	v4 =	vadd.f32 v25, v31;
	v2 =	vadd.f32 v29, v28  }
0xc4: {  	s2 =	simm.s32 $0x80;
	s3 =	simm.s32 $0x400;
	v11 =	vld [tilespmem:s4+$0x1060];
	v20 =	vadd.f32 v30, v26;
	v19 =	vadd.f32 v32, v27  }
.LBB2_15:
0xc5: {  	p0 =	sne.s32 s3, $0x1C00;
	v21 =	vld [tilespmem:s2+$0x1070];
	v9 =	vadd.f32 v18, v9  }
0xc6: {  	v22 =	vld [tilespmem:s2+$0x1000];
	v7 =	vadd.f32 v16, v7  }
0xc7: {  	v23 =	vld [tilespmem:s2+$0x1010];
	v5 =	vadd.f32 v14, v5  }
.Ltmp7:
0xc8: {  	v18 =	vld [tilespmem:s2+$0x1020];
	v3 =	vadd.f32 v12, v3;
	(pc) =	sbr.rel @p0 .LBB2_15-.Ltmp7, $4  }
0xc9: {  	v16 =	vld [tilespmem:s2+$0x1030];
	v1 =	vadd.f32 v11, v1  }
0xca: {  	v14 =	vld [tilespmem:s2+$0x1040];
	v2 =	vadd.f32 v21, v2  }
0xcb: {  	v20 =	vadd.f32 v22, v20;
	v12 =	vld [tilespmem:s2+$0x1050]  }
0xcc: {  	v19 =	vadd.f32 v23, v19;
	v11 =	vld [tilespmem:s2+$0x1060];
	s2 =	sshra.s32 s3, $0x2;
	s3 =	sadd.s32 $0x200, s3  }
0xcd: {  	v21 =	vld [tilespmem:s2+$0x1070]  }
0xce: {  	v22 =	vld [tilespmem:s2+$0x1000]  }
0xcf: {  	v23 =	vld [tilespmem:s2+$0x1010]  }
0xd0: {  	v24 =	vld [tilespmem:s2+$0x1020]  }
0xd1: {  	v25 =	vld [tilespmem:s2+$0x1030]  }
0xd2: {  	v26 =	vld [tilespmem:s2+$0x1040]  }
0xd3: {  	v27 =	vld [tilespmem:s2+$0x1050];
	s29 =	simm.s32 $0x3  }
0xd4: {  	v28 =	vld [tilespmem:s2+$0x1060];
	_ =	swait.ge [sflag:s29], $0x80  }
0xd5: {  	[sflag:s29] =	ssyncset.done $0x0  }
0xd6: {  	[sflag:s29] =	ssyncadd.s32 $0xFFFFFF80  }
0xd7: {  	v29 =	vld [tilespmem:$0xF00]  }
0xd8: {  	v30 =	vld [tilespmem:$0x1C80]  }
0xd9: {  	v17 =	vmul.f32 $4.999999890e-03, v17;
	v20 =	vadd.f32 v22, v20;
	_ =	sdelay $0x1  }
0xda: {  	v62 =	vld [tilespmem:$0xF10];
	v17 =	vmul.f32 v20, v17  }
0xdb: {  	v15 =	vmul.f32 $4.999999890e-03, v15;
	v63 =	vld [tilespmem:$0x1C90]  }
0xdc: {  	v19 =	vadd.f32 v23, v19;
	v30 =	vmul.f32 v30, v29;
	v17 =	vadd.f32 $0.0e+00, v17;
	_ =	sdelay $0x1  }
0xdd: {  	v9 =	vadd.f32 v18, v9;
	v31 =	vld [tilespmem:$0xF20];
	v15 =	vmul.f32 v19, v15;
	v17 =	vadd.f32 v30, v17  }
0xde: {  	v13 =	vmul.f32 $4.999999890e-03, v13;
	v32 =	vld [tilespmem:$0x1CA0]  }
0xdf: {  	v9 =	vadd.f32 v24, v9;
	v33 =	vmul.f32 v63, v62;
	v15 =	vadd.f32 v17, v15;
	_ =	sdelay $0x1  }
0xe0: {  	v7 =	vadd.f32 v16, v7;
	v34 =	vld [tilespmem:$0xF30];
	v9 =	vmul.f32 v9, v13;
	v15 =	vadd.f32 v33, v15  }
0xe1: {  	v10 =	vmul.f32 $4.999999890e-03, v10;
	v35 =	vld [tilespmem:$0x1CB0]  }
0xe2: {  	v7 =	vadd.f32 v25, v7;
	v36 =	vmul.f32 v32, v31;
	v9 =	vadd.f32 v15, v9;
	_ =	sdelay $0x1  }
0xe3: {  	v5 =	vadd.f32 v14, v5;
	v37 =	vld [tilespmem:$0xF40];
	v7 =	vmul.f32 v7, v10;
	v9 =	vadd.f32 v36, v9  }
0xe4: {  	v8 =	vmul.f32 $4.999999890e-03, v8;
	v38 =	vld [tilespmem:$0x1CC0]  }
0xe5: {  	v5 =	vadd.f32 v26, v5;
	v39 =	vmul.f32 v35, v34;
	v7 =	vadd.f32 v9, v7;
	_ =	sdelay $0x1  }
0xe6: {  	v3 =	vadd.f32 v12, v3;
	v40 =	vld [tilespmem:$0xF50];
	v5 =	vmul.f32 v5, v8;
	v7 =	vadd.f32 v39, v7  }
0xe7: {  	v6 =	vmul.f32 $4.999999890e-03, v6;
	v41 =	vld [tilespmem:$0x1CD0]  }
0xe8: {  	v3 =	vadd.f32 v27, v3;
	v42 =	vmul.f32 v38, v37;
	v5 =	vadd.f32 v7, v5;
	_ =	sdelay $0x1  }
0xe9: {  	v1 =	vadd.f32 v11, v1;
	v43 =	vld [tilespmem:$0xF60];
	v3 =	vmul.f32 v3, v6;
	v5 =	vadd.f32 v42, v5  }
0xea: {  	v4 =	vmul.f32 $4.999999890e-03, v4;
	v44 =	vld [tilespmem:$0x1CE0]  }
0xeb: {  	v1 =	vadd.f32 v28, v1;
	v45 =	vmul.f32 v41, v40;
	v3 =	vadd.f32 v5, v3;
	_ =	sdelay $0x1  }
0xec: {  	v46 =	vld [tilespmem:$0xF70];
	v1 =	vmul.f32 v1, v4;
	v3 =	vadd.f32 v45, v3  }
0xed: {  	v0 =	vmul.f32 $4.999999890e-03, v0;
	v49 =	vimm.s32 $0xFEDCBA9;
	v48 =	vld [tilespmem:$0x1CF0];
	v2 =	vadd.f32 v21, v2  }
0xee: {  	v50 =	vimm.s32 $0x87654321;
	v47 =	vmul.f32 v44, v43;
	v1 =	vadd.f32 v3, v1  }
0xef: {  	v0 =	vmul.f32 v2, v0;
	v2 =	vunpack.c.l.s4.s8 v49;
	v3 =	vunpack.c.l.s4.s8 v50  }
0xf0: {  	v1 =	vadd.f32 v47, v1  }
0xf1: {  	v53 =	vimm.s32 $0x10FEDCBA;
	v2 =	vunpack.c.0.s8.s32 v2;
	v3 =	vunpack.c.0.s8.s32 v3  }
0xf2: {  	v54 =	vimm.s32 $0x98765432;
	v51 =	vmul.f32 v48, v46;
	v0 =	vadd.f32 v1, v0  }
0xf3: {  	v52 =	vcombine.low v3, v2;
	v2 =	vunpack.c.l.s4.s8 v53;
	v3 =	vunpack.c.l.s4.s8 v54  }
0xf4: {  	v0 =	vadd.f32 v51, v0  }
0xf5: {  	v2 =	vunpack.c.0.s8.s32 v2;
	v3 =	vunpack.c.0.s8.s32 v3  }
0xf6: {  	v1 =	vperm.xlane v0, v52  }
0xf7: {  	v56 =	vimm.s32 $0x3210FEDC;
	v57 =	vimm.s32 $0xBA987654;
	v55 =	vcombine.low v3, v2  }
0xf8: {  	v2 =	vunpack.c.l.s4.s8 v56;
	v3 =	vunpack.c.l.s4.s8 v57;
	v0 =	vadd.f32 v0, v1  }
0xf9: {  	v58 =	vimm.s32 $0xFEDCBA98  }
0xfa: {  	v2 =	vunpack.c.0.s8.s32 v2;
	v3 =	vunpack.c.0.s8.s32 v3;
	v1 =	vperm.xlane v0, v55  }
0xfb: {  	v59 =	vimm.s32 $0x76543210;
	v4 =	vunpack.c.l.s4.s8 v58  }
0xfc: {  	v61 =	vunpack.c.l.s4.s8 v59;
	v60 =	vcombine.low v3, v2;
	v0 =	vadd.f32 v0, v1  }
0xfd: {  	v62 =	vunpack.c.0.s8.s32 v4  }
0xfe: {  	v2 =	vunpack.c.0.s8.s32 v61;
	v1 =	vperm.xlane v0, v60  }
0xff: {  	v3 =	vand.u32 $0xF, v62  }
0x100: {  	v63 =	vcombine.low v3, v2;
	v0 =	vadd.f32 v0, v1;
	_ =	sdelay $0x1  }
0x101: {  	v1 =	vperm.xlane v0, v63;
	_ =	sdelay $0x1  }
0x102: {  	v0 =	vadd.f32 v0, v1;
	_ =	sdelay $0x1  }
0x103: {  	v0 =	vsub.f32 $0.0e+00, v0;
	_ =	sdelay $0x1  }
0x104: {  	v0 =	vmul.f32 $1.442695020e+00, v0;
	_ =	sdelay $0x1  }
0x105: {  	(erf) = vpow2.f32 v0;
	_ =	sdelay $0x8  }
0x106: {  	v0 =	vpop (erf)  }
0x107: {  	v0 =	vadd.f32 $1.000000000e+00, v0;
	_ =	sdelay $0x1  }
0x108: {  	(erf) = vrcp.f32 v0;
	_ =	sdelay $0x8  }
0x109: {  	v0 =	vpop (erf)  }
0x10a: {  	s30 =	simm.s32 $0x0;
	s3 =	simm.s32 $0x1D00;
	s31 =	simm.s32 $0x4;
	[tilespmem:$0x1D00] =	vst v0  }
0x10b: {  	[hbm4b:s1+s30] =	stream.linear.scatter [tilespmem:s3], [sflag:$0x4], $0x80, $0x38;
	[tilespmem:$0x1E70] =	vst v63  }
0x10c: {  	_ =	swait.ge [sflag:s31], $0x80  }
0x10d: {  	[sflag:s31] =	ssyncset.done $0x0  }
0x10e: {  	[sflag:s31] =	ssyncadd.s32 $0xFFFFFF80  }
0x10f: {  	_ =	sfence.sel $0x180000  }
0x110: {  	[bflag:$0x0] =	sbarrier.arrive $0xFFFF  }
0x111: {  	_ =	strace $0x90000047  }
0x112: {  	s0 =	sadd.s32 $0x100000, s0;
	[bflag:$0x2] =	sbarrier.arrive $0xFFFF  }
0x113: {  	[sflag:s0] =	ssyncadd.tile.s32 $0x1;
	_ =	shalt  }
.Lfunc_end2:
_tile_overlayer_lowered:
.L_overlay_start_2:
0x114: {  	(tag) =	ssettag $0x2  }
0x115: {  	s0 =	rddreg [dreg:$0x0];
	s2 =	stileid.u32  }
0x116: {  	s1 =	rddreg [dreg:$0x1];
	p0 =	sne.s32 s2, $0x0  }
0x117: {  	s3 =	rddreg [dreg:$0x2];
	[bflag:$0x3] =	sbarrier.arrive $0xFFFF;
	s2 =	simm.s32 @!p0 $0x1C04  }
0x118: {  	[timem:s3], [sflag:s2] =	dma.local @!p0 [hbm:s0], s1  }
0x119: {  	s0 =	simm.s32 @!p0 $0x4  }
0x11a: {  	_ =	swait.ge @!p0 [sflag:s0], s1  }
0x11b: {  	s1 =	ssub.s32 @!p0 $0x0, s1;
	[sflag:s0] =	ssyncset.done @!p0 $0x0  }
0x11c: {  	[sflag:s0] =	ssyncadd.s32 @!p0 s1  }
0x11d: {  	[bflag:$0x3] =	sbarrier.arrive $0xFFFF  }
0x11e: {  	_ =	shalt  }

</sc_bundles>
